<compile_context>
chip_gen: v7x
topology: tpu7x:2x2x1
jax: 0.10.2.dev20260603
libtpu: 0.0.44.dev20260713+nightly
codegen_flags: <defaults>
</compile_context>

<pallas_src>
import functools

import jax
import jax.numpy as jnp
from jax import lax
from jax.experimental import pallas as pl
from jax.experimental.pallas import tpu as pltpu
from jax.experimental.pallas import tpu_sc as plsc

B = 4096
MAXLEN = 50
A = 128
HNL = 2048
NC = 2
NS = 16
NW = NC * NS
BPW = B // NW
CHUNK = 128
CPW = B * MAXLEN // (CHUNK * NW)


def _sc_gather_pool(tag2d, seg2d, rating, category, zeros, emb_rating,
                    emb_category, emb_tag):
    mesh = plsc.VectorSubcoreMesh(core_axis_name="c", subcore_axis_name="s")
    f32 = jnp.float32

    @functools.partial(
        pl.kernel,
        out_type=(
            jax.ShapeDtypeStruct((B, A), f32),
            jax.ShapeDtypeStruct((B, A), f32),
            jax.ShapeDtypeStruct((B, A), f32),
        ),
        mesh=mesh,
        scratch_types=[
            pltpu.VMEM((CPW, CHUNK), jnp.int32),
            pltpu.VMEM((CPW, CHUNK), jnp.int32),
            pltpu.VMEM((BPW,), jnp.int32),
            pltpu.VMEM((BPW,), jnp.int32),
            pltpu.VMEM((CHUNK, A), f32),
            pltpu.VMEM((CHUNK, A), f32),
            pltpu.VMEM((CHUNK, A), f32),
            pltpu.VMEM((CHUNK, A), f32),
            pltpu.VMEM((BPW, A), f32),
            pltpu.VMEM((BPW, A), f32),
            pltpu.VMEM_SHARED((B // NC, A), f32),
            pltpu.SemaphoreType.DMA,
            pltpu.SemaphoreType.DMA,
            pltpu.SemaphoreType.DMA,
            pltpu.SemaphoreType.DMA,
            pltpu.SemaphoreType.DMA,
            pltpu.SemaphoreType.DMA,
        ],
    )
    def body(tag_ref, seg_ref, rat_ref, cat_ref, zero_ref,
             er_ref, ec_ref, et_ref,
             rat_out, cat_out, sum_out,
             idx_v, seg_v, ridx_v, cidx_v, rows0_v, rows1_v, rows2_v,
             rows3_v, remb_v, cemb_v, acc,
             sem0, sem1, sem2, sem3, semr, semc):
        wid = lax.axis_index("c") * NS + lax.axis_index("s")
        base = wid * BPW
        lbase = lax.axis_index("s") * BPW

        pltpu.sync_copy(tag_ref.at[wid], idx_v)

        bufs = (rows0_v, rows1_v, rows2_v, rows3_v)
        sems = (sem0, sem1, sem2, sem3)
        nbuf = 4

        for b in range(nbuf):
            pltpu.async_copy(et_ref.at[idx_v.at[b]], bufs[b], sems[b])

        pltpu.sync_copy(zero_ref, acc.at[pl.ds(lbase, BPW)])
        pltpu.sync_copy(seg_ref.at[wid], seg_v)
        pltpu.sync_copy(rat_ref.at[pl.ds(base, BPW)], ridx_v)
        pltpu.sync_copy(cat_ref.at[pl.ds(base, BPW)], cidx_v)
        rd = pltpu.async_copy(er_ref.at[ridx_v], remb_v, semr)
        cd = pltpu.async_copy(ec_ref.at[cidx_v], cemb_v, semc)

        nfull = (CPW - nbuf) // nbuf
        rem = CPW - nbuf - nfull * nbuf

        def drain(c, b):
            pltpu.make_async_copy(et_ref.at[idx_v.at[c]], bufs[b],
                                  sems[b]).wait()
            pltpu.sync_copy(bufs[b], acc.at[seg_v.at[c]], add=True)

        def step(t, carry):
            for b in range(nbuf):
                c = nbuf * t + b
                drain(c, b)
                pltpu.async_copy(et_ref.at[idx_v.at[c + nbuf]], bufs[b],
                                 sems[b])
            return carry

        lax.fori_loop(0, nfull, step, 0)

        cbase = nfull * nbuf
        for b in range(nbuf):
            c = cbase + b
            drain(c, b)
            if b < rem:
                pltpu.async_copy(et_ref.at[idx_v.at[c + nbuf]], bufs[b],
                                 sems[b])
        for b in range(rem):
            drain(cbase + nbuf + b, b)

        p3 = pltpu.async_copy(acc.at[pl.ds(lbase, BPW)],
                              sum_out.at[pl.ds(base, BPW)], sem0)
        rd.wait()
        p1 = pltpu.async_copy(remb_v, rat_out.at[pl.ds(base, BPW)], semr)
        cd.wait()
        p2 = pltpu.async_copy(cemb_v, cat_out.at[pl.ds(base, BPW)], semc)
        p1.wait()
        p2.wait()
        p3.wait()

    return body(tag2d, seg2d, rating, category, zeros, emb_rating,
                emb_category, emb_tag)


def _tc_project(rat, cat, tsum, tag, w, b2d):
    BM = 512

    def body(tag_ref, rat_ref, cat_ref, tsum_ref, w_ref, b_ref,
             attr_ref, enc_ref):
        tl = jnp.sum((tag_ref[...] != 0).astype(jnp.float32), axis=1,
                     keepdims=True)
        tmean = tsum_ref[...] / tl
        x = jnp.concatenate([rat_ref[...], cat_ref[...], tmean], axis=1)
        attr_ref[0] = rat_ref[...]
        attr_ref[1] = cat_ref[...]
        attr_ref[2] = tmean
        y = lax.dot_general(x, w_ref[...], (((1,), (1,)), ((), ())),
                            preferred_element_type=jnp.float32)
        enc_ref[...] = jnp.tanh(y + b_ref[...])[:, None, :]

    return pl.pallas_call(
        body,
        grid=(B // BM,),
        in_specs=[
            pl.BlockSpec((BM, MAXLEN), lambda i: (i, 0)),
            pl.BlockSpec((BM, A), lambda i: (i, 0)),
            pl.BlockSpec((BM, A), lambda i: (i, 0)),
            pl.BlockSpec((BM, A), lambda i: (i, 0)),
            pl.BlockSpec((HNL, 3 * A), lambda i: (0, 0)),
            pl.BlockSpec((1, HNL), lambda i: (0, 0)),
        ],
        out_specs=[
            pl.BlockSpec((3, BM, A), lambda i: (0, i, 0)),
            pl.BlockSpec((BM, 1, HNL), lambda i: (i, 0, 0)),
        ],
        out_shape=[
            jax.ShapeDtypeStruct((3, B, A), jnp.float32),
            jax.ShapeDtypeStruct((B, 1, HNL), jnp.float32),
        ],
    )(tag, rat, cat, tsum, w, b2d)


def kernel(rating, category, tag, emb_rating, emb_category, emb_tag, W_out,
           b_out):
    rating_f = rating.reshape(B).astype(jnp.int32)
    category_f = category.reshape(B).astype(jnp.int32)
    tag_i = tag.astype(jnp.int32)
    tag2d = tag_i.reshape(NW, CPW, CHUNK)
    seg2d = (jnp.repeat(jnp.arange(B, dtype=jnp.int32), MAXLEN)
             % (B // NC)).reshape(NW, CPW, CHUNK)
    zeros = jnp.zeros((BPW, A), jnp.float32)
    rat_e, cat_e, tsum = _sc_gather_pool(tag2d, seg2d, rating_f, category_f,
                                         zeros, emb_rating, emb_category,
                                         emb_tag)
    attr3, enc = _tc_project(rat_e, cat_e, tsum, tag_i, W_out,
                             b_out.reshape(1, HNL))
    return attr3.transpose(1, 0, 2), enc

# --- scband reference (transcript-rebuilt; emitter-appended) ---
"""Pipeline reference for scband-encoder-82377472737936 (READ-ONLY COPY).

The authoritative reference and input builder live on the scoring server;
editing this copy changes nothing except your own understanding.
"""

import jax, jax.numpy as jnp
import numpy as np

B = 4096
MAXLEN = 50
A = 128
H = 1024
NL = 2
PAD = 0
RATING_SIZE = 10
CATEGORY_SIZE = 1000
TAG_SIZE = 100000


def setup_inputs(seed: int = 0) -> dict:
    key = jax.random.key(seed)
    ks = jax.random.split(key, 8)
    rating = jax.random.randint(ks[0], (B, 1), 0, RATING_SIZE)
    category = jax.random.randint(ks[1], (B, 1), 0, CATEGORY_SIZE)
    tag = jax.random.randint(ks[2], (B, MAXLEN), 0, TAG_SIZE)

    def u(k, shape):
        return jax.random.uniform(k, shape, jnp.float32, -0.08, 0.08)

    emb_rating = u(ks[3], (RATING_SIZE, A))
    emb_category = u(ks[4], (CATEGORY_SIZE, A))
    emb_tag = u(ks[5], (TAG_SIZE, A))
    W_out = u(ks[6], (H * NL, A * 3))
    b_out = u(ks[7], (H * NL,))
    return {
        "rating": rating,
        "category": category,
        "tag": tag,
        "emb_rating": emb_rating,
        "emb_category": emb_category,
        "emb_tag": emb_tag,
        "W_out": W_out,
        "b_out": b_out,
    }


def reference(rating, category, tag, emb_rating, emb_category, emb_tag, W_out, b_out):
    # embedding lookups (gather)
    attr_rating = jnp.take(emb_rating, rating, axis=0)      # [B, 1, A]
    attr_category = jnp.take(emb_category, category, axis=0)  # [B, 1, A]
    # mean of tag embeddings over non-padding tokens
    tag_len = jnp.sum(tag != PAD, axis=1).astype(jnp.float32)[:, None, None]  # [B,1,1]
    attr_tag = jnp.sum(jnp.take(emb_tag, tag, axis=0), axis=1, keepdims=True) / tag_len  # [B,1,A]
    attr = jnp.concatenate((attr_rating, attr_category, attr_tag), axis=2)  # [B,1,3A]
    out = attr @ W_out.T + b_out  # [B, 1, H*NL]
    attr_v = attr.reshape(B, 3, -1)  # [B, num_attr, A]
    encoder_output = jnp.tanh(out)
    return (attr_v, encoder_output)

if __name__ == "__main__":
    import jax
    _d = setup_inputs()
    print(jax.jit(kernel)(*tuple(_d.values())))

</pallas_src>

<mosaic_0001>
#map = affine_map<(d0, d1) -> (0, 0, 0)>
#map1 = affine_map<(d0, d1) -> (0)>
#map2 = affine_map<(d0, d1) -> (0, 0)>
module attributes {stable_mosaic.version = 14 : i64} {
  func.func @body(%arg0: i32, %arg1: i32, %arg2: memref<32x50x128xi32, #tpu.memory_space<hbm>>, %arg3: memref<32x50x128xi32, #tpu.memory_space<hbm>>, %arg4: memref<4096xi32, #tpu.memory_space<hbm>>, %arg5: memref<4096xi32, #tpu.memory_space<hbm>>, %arg6: memref<128x128xf32, #tpu.memory_space<hbm>>, %arg7: memref<10x128xf32, #tpu.memory_space<hbm>>, %arg8: memref<1000x128xf32, #tpu.memory_space<hbm>>, %arg9: memref<100000x128xf32, #tpu.memory_space<hbm>>, %arg10: memref<4096x128xf32, #tpu.memory_space<hbm>>, %arg11: memref<4096x128xf32, #tpu.memory_space<hbm>>, %arg12: memref<4096x128xf32, #tpu.memory_space<hbm>>, %arg13: memref<50x128xi32, #tpu.memory_space<vmem>>, %arg14: memref<50x128xi32, #tpu.memory_space<vmem>>, %arg15: memref<128xi32, #tpu.memory_space<vmem>>, %arg16: memref<128xi32, #tpu.memory_space<vmem>>, %arg17: memref<128x128xf32, #tpu.memory_space<vmem>>, %arg18: memref<128x128xf32, #tpu.memory_space<vmem>>, %arg19: memref<128x128xf32, #tpu.memory_space<vmem>>, %arg20: memref<128x128xf32, #tpu.memory_space<vmem>>, %arg21: memref<128x128xf32, #tpu.memory_space<vmem>>, %arg22: memref<128x128xf32, #tpu.memory_space<vmem>>, %arg23: memref<2048x128xf32, #tpu.memory_space<vmem_shared>>, %arg24: memref<!tpu.dma_semaphore, #tpu.memory_space<semaphore_mem>>, %arg25: memref<!tpu.dma_semaphore, #tpu.memory_space<semaphore_mem>>, %arg26: memref<!tpu.dma_semaphore, #tpu.memory_space<semaphore_mem>>, %arg27: memref<!tpu.dma_semaphore, #tpu.memory_space<semaphore_mem>>, %arg28: memref<!tpu.dma_semaphore, #tpu.memory_space<semaphore_mem>>, %arg29: memref<!tpu.dma_semaphore, #tpu.memory_space<semaphore_mem>>) attributes {dimension_semantics = [#tpu.dimension_semantics<core_parallel>, #tpu.dimension_semantics<subcore_parallel>], iteration_bounds = array<i64: 2, 16>, scalar_prefetch = 0 : i64, scratch_operands = 17 : i64, tpu.core_type = #tpu.core_type<sc_vector_subcore>, window_params = [{transform_indices = #map}, {transform_indices = #map}, {transform_indices = #map1}, {transform_indices = #map1}, {transform_indices = #map2}, {transform_indices = #map2}, {transform_indices = #map2}, {transform_indices = #map2}, {transform_indices = #map2}, {transform_indices = #map2}, {transform_indices = #map2}]} {
    %mul3A = arith.constant 16 : i32
    %mul3A_0 = arith.muli %arg0, %mul3A : i32
    %add3A = arith.addi %mul3A_0, %arg1 : i32
    %mul3A_1 = arith.constant 128 : i32
    %mul3A_2 = arith.muli %add3A, %mul3A_1 : i32
    %mul3A_3 = arith.constant 128 : i32
    %mul3A_4 = arith.muli %arg1, %mul3A_3 : i32
    "tpu.region"() ({
      %run_scoped3A_133 = tpu.sem_alloc : memref<!tpu.dma_semaphore, #tpu.memory_space<semaphore_mem>>
      %dma_start3A_134 = arith.constant 0 : i32
      %dma_start3A_135 = arith.constant 0 : i32
      %dma_start3A_136 = tpu.memref_slice %arg2[%add3A, %dma_start3A_134, %dma_start3A_135] : memref<32x50x128xi32, #tpu.memory_space<hbm>> -> memref<1x50x128xi32, #tpu.memory_space<hbm>>
      %dma_start3A_137 = tpu.memref_squeeze %dma_start3A_136 : memref<1x50x128xi32, #tpu.memory_space<hbm>> -> memref<50x128xi32, #tpu.memory_space<hbm>>
      %dma_start3A_138 = arith.constant 0 : i32
      %dma_start3A_139 = arith.constant 0 : i32
      %dma_start3A_140 = tpu.memref_slice %arg2[%add3A, %dma_start3A_138, %dma_start3A_139] : memref<32x50x128xi32, #tpu.memory_space<hbm>> -> memref<1x50x128xi32, #tpu.memory_space<hbm>>
      %dma_start3A_141 = tpu.memref_squeeze %dma_start3A_140 : memref<1x50x128xi32, #tpu.memory_space<hbm>> -> memref<50x128xi32, #tpu.memory_space<hbm>>
      tpu.enqueue_dma source(%dma_start3A_141 : memref<50x128xi32, #tpu.memory_space<hbm>>) target(%arg13 : memref<50x128xi32, #tpu.memory_space<vmem>>) target_semaphore(%run_scoped3A_133 : memref<!tpu.dma_semaphore, #tpu.memory_space<semaphore_mem>>)
      %dma_wait3A_142 = arith.constant 0 : i32
      %dma_wait3A_143 = arith.constant 0 : i32
      %dma_wait3A_144 = tpu.memref_slice %arg2[%add3A, %dma_wait3A_142, %dma_wait3A_143] : memref<32x50x128xi32, #tpu.memory_space<hbm>> -> memref<1x50x128xi32, #tpu.memory_space<hbm>>
      %dma_wait3A_145 = tpu.memref_squeeze %dma_wait3A_144 : memref<1x50x128xi32, #tpu.memory_space<hbm>> -> memref<50x128xi32, #tpu.memory_space<hbm>>
      %dma_wait3A_146 = arith.constant 0 : i32
      %dma_wait3A_147 = arith.constant 0 : i32
      %dma_wait3A_148 = tpu.memref_slice %arg2[%add3A, %dma_wait3A_146, %dma_wait3A_147] : memref<32x50x128xi32, #tpu.memory_space<hbm>> -> memref<1x50x128xi32, #tpu.memory_space<hbm>>
      %dma_wait3A_149 = tpu.memref_squeeze %dma_wait3A_148 : memref<1x50x128xi32, #tpu.memory_space<hbm>> -> memref<50x128xi32, #tpu.memory_space<hbm>>
      tpu.wait_dma2 semaphore(%run_scoped3A_133 : memref<!tpu.dma_semaphore, #tpu.memory_space<semaphore_mem>>) src(%dma_wait3A_149 : memref<50x128xi32, #tpu.memory_space<hbm>>) dst(%arg13 : memref<50x128xi32, #tpu.memory_space<vmem>>)
      tpu.yield
    }) : () -> ()
    %dma_start3A = arith.constant 0 : i32
    %dma_start3A_5 = arith.constant 0 : i32
    %dma_start3A_6 = tpu.memref_slice %arg13[%dma_start3A, %dma_start3A_5] : memref<50x128xi32, #tpu.memory_space<vmem>> -> memref<1x128xi32, #tpu.memory_space<vmem>>
    %dma_start3A_7 = tpu.memref_squeeze %dma_start3A_6 : memref<1x128xi32, #tpu.memory_space<vmem>> -> memref<128xi32, #tpu.memory_space<vmem>>
    %dma_start3A_8 = arith.constant 0 : i32
    %dma_start3A_9 = arith.constant 0 : i32
    %dma_start3A_10 = tpu.memref_slice %arg9[%dma_start3A_8, %dma_start3A_9] : memref<100000x128xf32, #tpu.memory_space<hbm>> -> memref<100000x128xf32, #tpu.memory_space<hbm>>
    tpu.enqueue_indirect_dma source(%dma_start3A_10 : memref<100000x128xf32, #tpu.memory_space<hbm>>) target(%arg17 : memref<128x128xf32, #tpu.memory_space<vmem>>) offsets(%dma_start3A_7 : memref<128xi32, #tpu.memory_space<vmem>>) semaphore(%arg24 : memref<!tpu.dma_semaphore, #tpu.memory_space<semaphore_mem>>)
    %dma_start3A_11 = arith.constant 1 : i32
    %dma_start3A_12 = arith.constant 0 : i32
    %dma_start3A_13 = tpu.memref_slice %arg13[%dma_start3A_11, %dma_start3A_12] : memref<50x128xi32, #tpu.memory_space<vmem>> -> memref<1x128xi32, #tpu.memory_space<vmem>>
    %dma_start3A_14 = tpu.memref_squeeze %dma_start3A_13 : memref<1x128xi32, #tpu.memory_space<vmem>> -> memref<128xi32, #tpu.memory_space<vmem>>
    %dma_start3A_15 = arith.constant 0 : i32
    %dma_start3A_16 = arith.constant 0 : i32
    %dma_start3A_17 = tpu.memref_slice %arg9[%dma_start3A_15, %dma_start3A_16] : memref<100000x128xf32, #tpu.memory_space<hbm>> -> memref<100000x128xf32, #tpu.memory_space<hbm>>
    tpu.enqueue_indirect_dma source(%dma_start3A_17 : memref<100000x128xf32, #tpu.memory_space<hbm>>) target(%arg18 : memref<128x128xf32, #tpu.memory_space<vmem>>) offsets(%dma_start3A_14 : memref<128xi32, #tpu.memory_space<vmem>>) semaphore(%arg25 : memref<!tpu.dma_semaphore, #tpu.memory_space<semaphore_mem>>)
    %dma_start3A_18 = arith.constant 2 : i32
    %dma_start3A_19 = arith.constant 0 : i32
    %dma_start3A_20 = tpu.memref_slice %arg13[%dma_start3A_18, %dma_start3A_19] : memref<50x128xi32, #tpu.memory_space<vmem>> -> memref<1x128xi32, #tpu.memory_space<vmem>>
    %dma_start3A_21 = tpu.memref_squeeze %dma_start3A_20 : memref<1x128xi32, #tpu.memory_space<vmem>> -> memref<128xi32, #tpu.memory_space<vmem>>
    %dma_start3A_22 = arith.constant 0 : i32
    %dma_start3A_23 = arith.constant 0 : i32
    %dma_start3A_24 = tpu.memref_slice %arg9[%dma_start3A_22, %dma_start3A_23] : memref<100000x128xf32, #tpu.memory_space<hbm>> -> memref<100000x128xf32, #tpu.memory_space<hbm>>
    tpu.enqueue_indirect_dma source(%dma_start3A_24 : memref<100000x128xf32, #tpu.memory_space<hbm>>) target(%arg19 : memref<128x128xf32, #tpu.memory_space<vmem>>) offsets(%dma_start3A_21 : memref<128xi32, #tpu.memory_space<vmem>>) semaphore(%arg26 : memref<!tpu.dma_semaphore, #tpu.memory_space<semaphore_mem>>)
    %dma_start3A_25 = arith.constant 3 : i32
    %dma_start3A_26 = arith.constant 0 : i32
    %dma_start3A_27 = tpu.memref_slice %arg13[%dma_start3A_25, %dma_start3A_26] : memref<50x128xi32, #tpu.memory_space<vmem>> -> memref<1x128xi32, #tpu.memory_space<vmem>>
    %dma_start3A_28 = tpu.memref_squeeze %dma_start3A_27 : memref<1x128xi32, #tpu.memory_space<vmem>> -> memref<128xi32, #tpu.memory_space<vmem>>
    %dma_start3A_29 = arith.constant 0 : i32
    %dma_start3A_30 = arith.constant 0 : i32
    %dma_start3A_31 = tpu.memref_slice %arg9[%dma_start3A_29, %dma_start3A_30] : memref<100000x128xf32, #tpu.memory_space<hbm>> -> memref<100000x128xf32, #tpu.memory_space<hbm>>
    tpu.enqueue_indirect_dma source(%dma_start3A_31 : memref<100000x128xf32, #tpu.memory_space<hbm>>) target(%arg20 : memref<128x128xf32, #tpu.memory_space<vmem>>) offsets(%dma_start3A_28 : memref<128xi32, #tpu.memory_space<vmem>>) semaphore(%arg27 : memref<!tpu.dma_semaphore, #tpu.memory_space<semaphore_mem>>)
    "tpu.region"() ({
      %run_scoped3A_133 = tpu.sem_alloc : memref<!tpu.dma_semaphore, #tpu.memory_space<semaphore_mem>>
      %dma_start3A_134 = arith.constant 0 : i32
      %dma_start3A_135 = tpu.memref_slice %arg23[%mul3A_4, %dma_start3A_134] : memref<2048x128xf32, #tpu.memory_space<vmem_shared>> -> memref<128x128xf32, #tpu.memory_space<vmem_shared>>
      tpu.enqueue_dma source(%arg6 : memref<128x128xf32, #tpu.memory_space<hbm>>) target(%dma_start3A_135 : memref<128x128xf32, #tpu.memory_space<vmem_shared>>) target_semaphore(%run_scoped3A_133 : memref<!tpu.dma_semaphore, #tpu.memory_space<semaphore_mem>>)
      %dma_wait3A_136 = arith.constant 0 : i32
      %dma_wait3A_137 = tpu.memref_slice %arg23[%mul3A_4, %dma_wait3A_136] : memref<2048x128xf32, #tpu.memory_space<vmem_shared>> -> memref<128x128xf32, #tpu.memory_space<vmem_shared>>
      tpu.wait_dma2 semaphore(%run_scoped3A_133 : memref<!tpu.dma_semaphore, #tpu.memory_space<semaphore_mem>>) src(%arg6 : memref<128x128xf32, #tpu.memory_space<hbm>>) dst(%dma_wait3A_137 : memref<128x128xf32, #tpu.memory_space<vmem_shared>>)
      tpu.yield
    }) : () -> ()
    "tpu.region"() ({
      %run_scoped3A_133 = tpu.sem_alloc : memref<!tpu.dma_semaphore, #tpu.memory_space<semaphore_mem>>
      %dma_start3A_134 = arith.constant 0 : i32
      %dma_start3A_135 = arith.constant 0 : i32
      %dma_start3A_136 = tpu.memref_slice %arg3[%add3A, %dma_start3A_134, %dma_start3A_135] : memref<32x50x128xi32, #tpu.memory_space<hbm>> -> memref<1x50x128xi32, #tpu.memory_space<hbm>>
      %dma_start3A_137 = tpu.memref_squeeze %dma_start3A_136 : memref<1x50x128xi32, #tpu.memory_space<hbm>> -> memref<50x128xi32, #tpu.memory_space<hbm>>
      %dma_start3A_138 = arith.constant 0 : i32
      %dma_start3A_139 = arith.constant 0 : i32
      %dma_start3A_140 = tpu.memref_slice %arg3[%add3A, %dma_start3A_138, %dma_start3A_139] : memref<32x50x128xi32, #tpu.memory_space<hbm>> -> memref<1x50x128xi32, #tpu.memory_space<hbm>>
      %dma_start3A_141 = tpu.memref_squeeze %dma_start3A_140 : memref<1x50x128xi32, #tpu.memory_space<hbm>> -> memref<50x128xi32, #tpu.memory_space<hbm>>
      tpu.enqueue_dma source(%dma_start3A_141 : memref<50x128xi32, #tpu.memory_space<hbm>>) target(%arg14 : memref<50x128xi32, #tpu.memory_space<vmem>>) target_semaphore(%run_scoped3A_133 : memref<!tpu.dma_semaphore, #tpu.memory_space<semaphore_mem>>)
      %dma_wait3A_142 = arith.constant 0 : i32
      %dma_wait3A_143 = arith.constant 0 : i32
      %dma_wait3A_144 = tpu.memref_slice %arg3[%add3A, %dma_wait3A_142, %dma_wait3A_143] : memref<32x50x128xi32, #tpu.memory_space<hbm>> -> memref<1x50x128xi32, #tpu.memory_space<hbm>>
      %dma_wait3A_145 = tpu.memref_squeeze %dma_wait3A_144 : memref<1x50x128xi32, #tpu.memory_space<hbm>> -> memref<50x128xi32, #tpu.memory_space<hbm>>
      %dma_wait3A_146 = arith.constant 0 : i32
      %dma_wait3A_147 = arith.constant 0 : i32
      %dma_wait3A_148 = tpu.memref_slice %arg3[%add3A, %dma_wait3A_146, %dma_wait3A_147] : memref<32x50x128xi32, #tpu.memory_space<hbm>> -> memref<1x50x128xi32, #tpu.memory_space<hbm>>
      %dma_wait3A_149 = tpu.memref_squeeze %dma_wait3A_148 : memref<1x50x128xi32, #tpu.memory_space<hbm>> -> memref<50x128xi32, #tpu.memory_space<hbm>>
      tpu.wait_dma2 semaphore(%run_scoped3A_133 : memref<!tpu.dma_semaphore, #tpu.memory_space<semaphore_mem>>) src(%dma_wait3A_149 : memref<50x128xi32, #tpu.memory_space<hbm>>) dst(%arg14 : memref<50x128xi32, #tpu.memory_space<vmem>>)
      tpu.yield
    }) : () -> ()
    "tpu.region"() ({
      %run_scoped3A_133 = tpu.sem_alloc : memref<!tpu.dma_semaphore, #tpu.memory_space<semaphore_mem>>
      %dma_start3A_134 = tpu.memref_slice %arg4[%mul3A_2] : memref<4096xi32, #tpu.memory_space<hbm>> -> memref<128xi32, #tpu.memory_space<hbm>>
      %dma_start3A_135 = tpu.memref_slice %arg4[%mul3A_2] : memref<4096xi32, #tpu.memory_space<hbm>> -> memref<128xi32, #tpu.memory_space<hbm>>
      tpu.enqueue_dma source(%dma_start3A_135 : memref<128xi32, #tpu.memory_space<hbm>>) target(%arg15 : memref<128xi32, #tpu.memory_space<vmem>>) target_semaphore(%run_scoped3A_133 : memref<!tpu.dma_semaphore, #tpu.memory_space<semaphore_mem>>)
      %dma_wait3A_136 = tpu.memref_slice %arg4[%mul3A_2] : memref<4096xi32, #tpu.memory_space<hbm>> -> memref<128xi32, #tpu.memory_space<hbm>>
      %dma_wait3A_137 = tpu.memref_slice %arg4[%mul3A_2] : memref<4096xi32, #tpu.memory_space<hbm>> -> memref<128xi32, #tpu.memory_space<hbm>>
      tpu.wait_dma2 semaphore(%run_scoped3A_133 : memref<!tpu.dma_semaphore, #tpu.memory_space<semaphore_mem>>) src(%dma_wait3A_137 : memref<128xi32, #tpu.memory_space<hbm>>) dst(%arg15 : memref<128xi32, #tpu.memory_space<vmem>>)
      tpu.yield
    }) : () -> ()
    "tpu.region"() ({
      %run_scoped3A_133 = tpu.sem_alloc : memref<!tpu.dma_semaphore, #tpu.memory_space<semaphore_mem>>
      %dma_start3A_134 = tpu.memref_slice %arg5[%mul3A_2] : memref<4096xi32, #tpu.memory_space<hbm>> -> memref<128xi32, #tpu.memory_space<hbm>>
      %dma_start3A_135 = tpu.memref_slice %arg5[%mul3A_2] : memref<4096xi32, #tpu.memory_space<hbm>> -> memref<128xi32, #tpu.memory_space<hbm>>
      tpu.enqueue_dma source(%dma_start3A_135 : memref<128xi32, #tpu.memory_space<hbm>>) target(%arg16 : memref<128xi32, #tpu.memory_space<vmem>>) target_semaphore(%run_scoped3A_133 : memref<!tpu.dma_semaphore, #tpu.memory_space<semaphore_mem>>)
      %dma_wait3A_136 = tpu.memref_slice %arg5[%mul3A_2] : memref<4096xi32, #tpu.memory_space<hbm>> -> memref<128xi32, #tpu.memory_space<hbm>>
      %dma_wait3A_137 = tpu.memref_slice %arg5[%mul3A_2] : memref<4096xi32, #tpu.memory_space<hbm>> -> memref<128xi32, #tpu.memory_space<hbm>>
      tpu.wait_dma2 semaphore(%run_scoped3A_133 : memref<!tpu.dma_semaphore, #tpu.memory_space<semaphore_mem>>) src(%dma_wait3A_137 : memref<128xi32, #tpu.memory_space<hbm>>) dst(%arg16 : memref<128xi32, #tpu.memory_space<vmem>>)
      tpu.yield
    }) : () -> ()
    %dma_start3A_32 = arith.constant 0 : i32
    %dma_start3A_33 = arith.constant 0 : i32
    %dma_start3A_34 = tpu.memref_slice %arg7[%dma_start3A_32, %dma_start3A_33] : memref<10x128xf32, #tpu.memory_space<hbm>> -> memref<10x128xf32, #tpu.memory_space<hbm>>
    tpu.enqueue_indirect_dma source(%dma_start3A_34 : memref<10x128xf32, #tpu.memory_space<hbm>>) target(%arg21 : memref<128x128xf32, #tpu.memory_space<vmem>>) offsets(%arg15 : memref<128xi32, #tpu.memory_space<vmem>>) semaphore(%arg28 : memref<!tpu.dma_semaphore, #tpu.memory_space<semaphore_mem>>)
    %dma_start3A_35 = arith.constant 0 : i32
    %dma_start3A_36 = arith.constant 0 : i32
    %dma_start3A_37 = tpu.memref_slice %arg8[%dma_start3A_35, %dma_start3A_36] : memref<1000x128xf32, #tpu.memory_space<hbm>> -> memref<1000x128xf32, #tpu.memory_space<hbm>>
    tpu.enqueue_indirect_dma source(%dma_start3A_37 : memref<1000x128xf32, #tpu.memory_space<hbm>>) target(%arg22 : memref<128x128xf32, #tpu.memory_space<vmem>>) offsets(%arg16 : memref<128xi32, #tpu.memory_space<vmem>>) semaphore(%arg29 : memref<!tpu.dma_semaphore, #tpu.memory_space<semaphore_mem>>)
    %scan3A = arith.constant 0 : i32
    %scan3A_38 = arith.constant 0 : i32
    %scan3A_39 = arith.constant 11 : i32
    %scan3A_40 = arith.addi %scan3A_38, %scan3A_39 : i32
    %scan3A_41 = arith.constant 1 : i32
    scf.for %scan3A_133 = %scan3A_38 to %scan3A_40 step %scan3A_41  : i32 {
      %mul3A_134 = arith.constant 4 : i32
      %mul3A_135 = arith.muli %mul3A_134, %scan3A_133 : i32
      %add3A_136 = arith.constant 0 : i32
      %add3A_137 = arith.addi %mul3A_135, %add3A_136 : i32
      %dma_wait3A_138 = arith.constant 0 : i32
      %dma_wait3A_139 = tpu.memref_slice %arg13[%add3A_137, %dma_wait3A_138] : memref<50x128xi32, #tpu.memory_space<vmem>> -> memref<1x128xi32, #tpu.memory_space<vmem>>
      %dma_wait3A_140 = tpu.memref_squeeze %dma_wait3A_139 : memref<1x128xi32, #tpu.memory_space<vmem>> -> memref<128xi32, #tpu.memory_space<vmem>>
      %dma_wait3A_141 = arith.constant 0 : i32
      %dma_wait3A_142 = arith.constant 0 : i32
      %dma_wait3A_143 = tpu.memref_slice %arg9[%dma_wait3A_141, %dma_wait3A_142] : memref<100000x128xf32, #tpu.memory_space<hbm>> -> memref<100000x128xf32, #tpu.memory_space<hbm>>
      tpu.wait_indirect_dma semaphore(%arg24 : memref<!tpu.dma_semaphore, #tpu.memory_space<semaphore_mem>>) src(%dma_wait3A_143 : memref<100000x128xf32, #tpu.memory_space<hbm>>) dst(%arg17 : memref<128x128xf32, #tpu.memory_space<vmem>>)
      "tpu.region"() ({
        %run_scoped3A_206 = tpu.sem_alloc : memref<!tpu.dma_semaphore, #tpu.memory_space<semaphore_mem>>
        %dma_start3A_207 = arith.constant 0 : i32
        %dma_start3A_208 = tpu.memref_slice %arg14[%add3A_137, %dma_start3A_207] : memref<50x128xi32, #tpu.memory_space<vmem>> -> memref<1x128xi32, #tpu.memory_space<vmem>>
        %dma_start3A_209 = tpu.memref_squeeze %dma_start3A_208 : memref<1x128xi32, #tpu.memory_space<vmem>> -> memref<128xi32, #tpu.memory_space<vmem>>
        %dma_start3A_210 = arith.constant 0 : i32
        %dma_start3A_211 = arith.constant 0 : i32
        %dma_start3A_212 = tpu.memref_slice %arg23[%dma_start3A_210, %dma_start3A_211] : memref<2048x128xf32, #tpu.memory_space<vmem_shared>> -> memref<2048x128xf32, #tpu.memory_space<vmem_shared>>
        tpu.enqueue_indirect_dma source(%arg17 : memref<128x128xf32, #tpu.memory_space<vmem>>) target(%dma_start3A_212 : memref<2048x128xf32, #tpu.memory_space<vmem_shared>>) offsets(%dma_start3A_209 : memref<128xi32, #tpu.memory_space<vmem>>) semaphore(%run_scoped3A_206 : memref<!tpu.dma_semaphore, #tpu.memory_space<semaphore_mem>>) {add = true}
        %dma_wait3A_213 = arith.constant 0 : i32
        %dma_wait3A_214 = tpu.memref_slice %arg14[%add3A_137, %dma_wait3A_213] : memref<50x128xi32, #tpu.memory_space<vmem>> -> memref<1x128xi32, #tpu.memory_space<vmem>>
        %dma_wait3A_215 = tpu.memref_squeeze %dma_wait3A_214 : memref<1x128xi32, #tpu.memory_space<vmem>> -> memref<128xi32, #tpu.memory_space<vmem>>
        %dma_wait3A_216 = arith.constant 0 : i32
        %dma_wait3A_217 = arith.constant 0 : i32
        %dma_wait3A_218 = tpu.memref_slice %arg23[%dma_wait3A_216, %dma_wait3A_217] : memref<2048x128xf32, #tpu.memory_space<vmem_shared>> -> memref<2048x128xf32, #tpu.memory_space<vmem_shared>>
        tpu.wait_indirect_dma semaphore(%run_scoped3A_206 : memref<!tpu.dma_semaphore, #tpu.memory_space<semaphore_mem>>) src(%arg17 : memref<128x128xf32, #tpu.memory_space<vmem>>) dst(%dma_wait3A_218 : memref<2048x128xf32, #tpu.memory_space<vmem_shared>>)
        tpu.yield
      }) : () -> ()
      %add3A_144 = arith.constant 4 : i32
      %add3A_145 = arith.addi %add3A_137, %add3A_144 : i32
      %dma_start3A_146 = arith.constant 0 : i32
      %dma_start3A_147 = tpu.memref_slice %arg13[%add3A_145, %dma_start3A_146] : memref<50x128xi32, #tpu.memory_space<vmem>> -> memref<1x128xi32, #tpu.memory_space<vmem>>
      %dma_start3A_148 = tpu.memref_squeeze %dma_start3A_147 : memref<1x128xi32, #tpu.memory_space<vmem>> -> memref<128xi32, #tpu.memory_space<vmem>>
      %dma_start3A_149 = arith.constant 0 : i32
      %dma_start3A_150 = arith.constant 0 : i32
      %dma_start3A_151 = tpu.memref_slice %arg9[%dma_start3A_149, %dma_start3A_150] : memref<100000x128xf32, #tpu.memory_space<hbm>> -> memref<100000x128xf32, #tpu.memory_space<hbm>>
      tpu.enqueue_indirect_dma source(%dma_start3A_151 : memref<100000x128xf32, #tpu.memory_space<hbm>>) target(%arg17 : memref<128x128xf32, #tpu.memory_space<vmem>>) offsets(%dma_start3A_148 : memref<128xi32, #tpu.memory_space<vmem>>) semaphore(%arg24 : memref<!tpu.dma_semaphore, #tpu.memory_space<semaphore_mem>>)
      %mul3A_152 = arith.constant 4 : i32
      %mul3A_153 = arith.muli %mul3A_152, %scan3A_133 : i32
      %add3A_154 = arith.constant 1 : i32
      %add3A_155 = arith.addi %mul3A_153, %add3A_154 : i32
      %dma_wait3A_156 = arith.constant 0 : i32
      %dma_wait3A_157 = tpu.memref_slice %arg13[%add3A_155, %dma_wait3A_156] : memref<50x128xi32, #tpu.memory_space<vmem>> -> memref<1x128xi32, #tpu.memory_space<vmem>>
      %dma_wait3A_158 = tpu.memref_squeeze %dma_wait3A_157 : memref<1x128xi32, #tpu.memory_space<vmem>> -> memref<128xi32, #tpu.memory_space<vmem>>
      %dma_wait3A_159 = arith.constant 0 : i32
      %dma_wait3A_160 = arith.constant 0 : i32
      %dma_wait3A_161 = tpu.memref_slice %arg9[%dma_wait3A_159, %dma_wait3A_160] : memref<100000x128xf32, #tpu.memory_space<hbm>> -> memref<100000x128xf32, #tpu.memory_space<hbm>>
      tpu.wait_indirect_dma semaphore(%arg25 : memref<!tpu.dma_semaphore, #tpu.memory_space<semaphore_mem>>) src(%dma_wait3A_161 : memref<100000x128xf32, #tpu.memory_space<hbm>>) dst(%arg18 : memref<128x128xf32, #tpu.memory_space<vmem>>)
      "tpu.region"() ({
        %run_scoped3A_206 = tpu.sem_alloc : memref<!tpu.dma_semaphore, #tpu.memory_space<semaphore_mem>>
        %dma_start3A_207 = arith.constant 0 : i32
        %dma_start3A_208 = tpu.memref_slice %arg14[%add3A_155, %dma_start3A_207] : memref<50x128xi32, #tpu.memory_space<vmem>> -> memref<1x128xi32, #tpu.memory_space<vmem>>
        %dma_start3A_209 = tpu.memref_squeeze %dma_start3A_208 : memref<1x128xi32, #tpu.memory_space<vmem>> -> memref<128xi32, #tpu.memory_space<vmem>>
        %dma_start3A_210 = arith.constant 0 : i32
        %dma_start3A_211 = arith.constant 0 : i32
        %dma_start3A_212 = tpu.memref_slice %arg23[%dma_start3A_210, %dma_start3A_211] : memref<2048x128xf32, #tpu.memory_space<vmem_shared>> -> memref<2048x128xf32, #tpu.memory_space<vmem_shared>>
        tpu.enqueue_indirect_dma source(%arg18 : memref<128x128xf32, #tpu.memory_space<vmem>>) target(%dma_start3A_212 : memref<2048x128xf32, #tpu.memory_space<vmem_shared>>) offsets(%dma_start3A_209 : memref<128xi32, #tpu.memory_space<vmem>>) semaphore(%run_scoped3A_206 : memref<!tpu.dma_semaphore, #tpu.memory_space<semaphore_mem>>) {add = true}
        %dma_wait3A_213 = arith.constant 0 : i32
        %dma_wait3A_214 = tpu.memref_slice %arg14[%add3A_155, %dma_wait3A_213] : memref<50x128xi32, #tpu.memory_space<vmem>> -> memref<1x128xi32, #tpu.memory_space<vmem>>
        %dma_wait3A_215 = tpu.memref_squeeze %dma_wait3A_214 : memref<1x128xi32, #tpu.memory_space<vmem>> -> memref<128xi32, #tpu.memory_space<vmem>>
        %dma_wait3A_216 = arith.constant 0 : i32
        %dma_wait3A_217 = arith.constant 0 : i32
        %dma_wait3A_218 = tpu.memref_slice %arg23[%dma_wait3A_216, %dma_wait3A_217] : memref<2048x128xf32, #tpu.memory_space<vmem_shared>> -> memref<2048x128xf32, #tpu.memory_space<vmem_shared>>
        tpu.wait_indirect_dma semaphore(%run_scoped3A_206 : memref<!tpu.dma_semaphore, #tpu.memory_space<semaphore_mem>>) src(%arg18 : memref<128x128xf32, #tpu.memory_space<vmem>>) dst(%dma_wait3A_218 : memref<2048x128xf32, #tpu.memory_space<vmem_shared>>)
        tpu.yield
      }) : () -> ()
      %add3A_162 = arith.constant 4 : i32
      %add3A_163 = arith.addi %add3A_155, %add3A_162 : i32
      %dma_start3A_164 = arith.constant 0 : i32
      %dma_start3A_165 = tpu.memref_slice %arg13[%add3A_163, %dma_start3A_164] : memref<50x128xi32, #tpu.memory_space<vmem>> -> memref<1x128xi32, #tpu.memory_space<vmem>>
      %dma_start3A_166 = tpu.memref_squeeze %dma_start3A_165 : memref<1x128xi32, #tpu.memory_space<vmem>> -> memref<128xi32, #tpu.memory_space<vmem>>
      %dma_start3A_167 = arith.constant 0 : i32
      %dma_start3A_168 = arith.constant 0 : i32
      %dma_start3A_169 = tpu.memref_slice %arg9[%dma_start3A_167, %dma_start3A_168] : memref<100000x128xf32, #tpu.memory_space<hbm>> -> memref<100000x128xf32, #tpu.memory_space<hbm>>
      tpu.enqueue_indirect_dma source(%dma_start3A_169 : memref<100000x128xf32, #tpu.memory_space<hbm>>) target(%arg18 : memref<128x128xf32, #tpu.memory_space<vmem>>) offsets(%dma_start3A_166 : memref<128xi32, #tpu.memory_space<vmem>>) semaphore(%arg25 : memref<!tpu.dma_semaphore, #tpu.memory_space<semaphore_mem>>)
      %mul3A_170 = arith.constant 4 : i32
      %mul3A_171 = arith.muli %mul3A_170, %scan3A_133 : i32
      %add3A_172 = arith.constant 2 : i32
      %add3A_173 = arith.addi %mul3A_171, %add3A_172 : i32
      %dma_wait3A_174 = arith.constant 0 : i32
      %dma_wait3A_175 = tpu.memref_slice %arg13[%add3A_173, %dma_wait3A_174] : memref<50x128xi32, #tpu.memory_space<vmem>> -> memref<1x128xi32, #tpu.memory_space<vmem>>
      %dma_wait3A_176 = tpu.memref_squeeze %dma_wait3A_175 : memref<1x128xi32, #tpu.memory_space<vmem>> -> memref<128xi32, #tpu.memory_space<vmem>>
      %dma_wait3A_177 = arith.constant 0 : i32
      %dma_wait3A_178 = arith.constant 0 : i32
      %dma_wait3A_179 = tpu.memref_slice %arg9[%dma_wait3A_177, %dma_wait3A_178] : memref<100000x128xf32, #tpu.memory_space<hbm>> -> memref<100000x128xf32, #tpu.memory_space<hbm>>
      tpu.wait_indirect_dma semaphore(%arg26 : memref<!tpu.dma_semaphore, #tpu.memory_space<semaphore_mem>>) src(%dma_wait3A_179 : memref<100000x128xf32, #tpu.memory_space<hbm>>) dst(%arg19 : memref<128x128xf32, #tpu.memory_space<vmem>>)
      "tpu.region"() ({
        %run_scoped3A_206 = tpu.sem_alloc : memref<!tpu.dma_semaphore, #tpu.memory_space<semaphore_mem>>
        %dma_start3A_207 = arith.constant 0 : i32
        %dma_start3A_208 = tpu.memref_slice %arg14[%add3A_173, %dma_start3A_207] : memref<50x128xi32, #tpu.memory_space<vmem>> -> memref<1x128xi32, #tpu.memory_space<vmem>>
        %dma_start3A_209 = tpu.memref_squeeze %dma_start3A_208 : memref<1x128xi32, #tpu.memory_space<vmem>> -> memref<128xi32, #tpu.memory_space<vmem>>
        %dma_start3A_210 = arith.constant 0 : i32
        %dma_start3A_211 = arith.constant 0 : i32
        %dma_start3A_212 = tpu.memref_slice %arg23[%dma_start3A_210, %dma_start3A_211] : memref<2048x128xf32, #tpu.memory_space<vmem_shared>> -> memref<2048x128xf32, #tpu.memory_space<vmem_shared>>
        tpu.enqueue_indirect_dma source(%arg19 : memref<128x128xf32, #tpu.memory_space<vmem>>) target(%dma_start3A_212 : memref<2048x128xf32, #tpu.memory_space<vmem_shared>>) offsets(%dma_start3A_209 : memref<128xi32, #tpu.memory_space<vmem>>) semaphore(%run_scoped3A_206 : memref<!tpu.dma_semaphore, #tpu.memory_space<semaphore_mem>>) {add = true}
        %dma_wait3A_213 = arith.constant 0 : i32
        %dma_wait3A_214 = tpu.memref_slice %arg14[%add3A_173, %dma_wait3A_213] : memref<50x128xi32, #tpu.memory_space<vmem>> -> memref<1x128xi32, #tpu.memory_space<vmem>>
        %dma_wait3A_215 = tpu.memref_squeeze %dma_wait3A_214 : memref<1x128xi32, #tpu.memory_space<vmem>> -> memref<128xi32, #tpu.memory_space<vmem>>
        %dma_wait3A_216 = arith.constant 0 : i32
        %dma_wait3A_217 = arith.constant 0 : i32
        %dma_wait3A_218 = tpu.memref_slice %arg23[%dma_wait3A_216, %dma_wait3A_217] : memref<2048x128xf32, #tpu.memory_space<vmem_shared>> -> memref<2048x128xf32, #tpu.memory_space<vmem_shared>>
        tpu.wait_indirect_dma semaphore(%run_scoped3A_206 : memref<!tpu.dma_semaphore, #tpu.memory_space<semaphore_mem>>) src(%arg19 : memref<128x128xf32, #tpu.memory_space<vmem>>) dst(%dma_wait3A_218 : memref<2048x128xf32, #tpu.memory_space<vmem_shared>>)
        tpu.yield
      }) : () -> ()
      %add3A_180 = arith.constant 4 : i32
      %add3A_181 = arith.addi %add3A_173, %add3A_180 : i32
      %dma_start3A_182 = arith.constant 0 : i32
      %dma_start3A_183 = tpu.memref_slice %arg13[%add3A_181, %dma_start3A_182] : memref<50x128xi32, #tpu.memory_space<vmem>> -> memref<1x128xi32, #tpu.memory_space<vmem>>
      %dma_start3A_184 = tpu.memref_squeeze %dma_start3A_183 : memref<1x128xi32, #tpu.memory_space<vmem>> -> memref<128xi32, #tpu.memory_space<vmem>>
      %dma_start3A_185 = arith.constant 0 : i32
      %dma_start3A_186 = arith.constant 0 : i32
      %dma_start3A_187 = tpu.memref_slice %arg9[%dma_start3A_185, %dma_start3A_186] : memref<100000x128xf32, #tpu.memory_space<hbm>> -> memref<100000x128xf32, #tpu.memory_space<hbm>>
      tpu.enqueue_indirect_dma source(%dma_start3A_187 : memref<100000x128xf32, #tpu.memory_space<hbm>>) target(%arg19 : memref<128x128xf32, #tpu.memory_space<vmem>>) offsets(%dma_start3A_184 : memref<128xi32, #tpu.memory_space<vmem>>) semaphore(%arg26 : memref<!tpu.dma_semaphore, #tpu.memory_space<semaphore_mem>>)
      %mul3A_188 = arith.constant 4 : i32
      %mul3A_189 = arith.muli %mul3A_188, %scan3A_133 : i32
      %add3A_190 = arith.constant 3 : i32
      %add3A_191 = arith.addi %mul3A_189, %add3A_190 : i32
      %dma_wait3A_192 = arith.constant 0 : i32
      %dma_wait3A_193 = tpu.memref_slice %arg13[%add3A_191, %dma_wait3A_192] : memref<50x128xi32, #tpu.memory_space<vmem>> -> memref<1x128xi32, #tpu.memory_space<vmem>>
      %dma_wait3A_194 = tpu.memref_squeeze %dma_wait3A_193 : memref<1x128xi32, #tpu.memory_space<vmem>> -> memref<128xi32, #tpu.memory_space<vmem>>
      %dma_wait3A_195 = arith.constant 0 : i32
      %dma_wait3A_196 = arith.constant 0 : i32
      %dma_wait3A_197 = tpu.memref_slice %arg9[%dma_wait3A_195, %dma_wait3A_196] : memref<100000x128xf32, #tpu.memory_space<hbm>> -> memref<100000x128xf32, #tpu.memory_space<hbm>>
      tpu.wait_indirect_dma semaphore(%arg27 : memref<!tpu.dma_semaphore, #tpu.memory_space<semaphore_mem>>) src(%dma_wait3A_197 : memref<100000x128xf32, #tpu.memory_space<hbm>>) dst(%arg20 : memref<128x128xf32, #tpu.memory_space<vmem>>)
      "tpu.region"() ({
        %run_scoped3A_206 = tpu.sem_alloc : memref<!tpu.dma_semaphore, #tpu.memory_space<semaphore_mem>>
        %dma_start3A_207 = arith.constant 0 : i32
        %dma_start3A_208 = tpu.memref_slice %arg14[%add3A_191, %dma_start3A_207] : memref<50x128xi32, #tpu.memory_space<vmem>> -> memref<1x128xi32, #tpu.memory_space<vmem>>
        %dma_start3A_209 = tpu.memref_squeeze %dma_start3A_208 : memref<1x128xi32, #tpu.memory_space<vmem>> -> memref<128xi32, #tpu.memory_space<vmem>>
        %dma_start3A_210 = arith.constant 0 : i32
        %dma_start3A_211 = arith.constant 0 : i32
        %dma_start3A_212 = tpu.memref_slice %arg23[%dma_start3A_210, %dma_start3A_211] : memref<2048x128xf32, #tpu.memory_space<vmem_shared>> -> memref<2048x128xf32, #tpu.memory_space<vmem_shared>>
        tpu.enqueue_indirect_dma source(%arg20 : memref<128x128xf32, #tpu.memory_space<vmem>>) target(%dma_start3A_212 : memref<2048x128xf32, #tpu.memory_space<vmem_shared>>) offsets(%dma_start3A_209 : memref<128xi32, #tpu.memory_space<vmem>>) semaphore(%run_scoped3A_206 : memref<!tpu.dma_semaphore, #tpu.memory_space<semaphore_mem>>) {add = true}
        %dma_wait3A_213 = arith.constant 0 : i32
        %dma_wait3A_214 = tpu.memref_slice %arg14[%add3A_191, %dma_wait3A_213] : memref<50x128xi32, #tpu.memory_space<vmem>> -> memref<1x128xi32, #tpu.memory_space<vmem>>
        %dma_wait3A_215 = tpu.memref_squeeze %dma_wait3A_214 : memref<1x128xi32, #tpu.memory_space<vmem>> -> memref<128xi32, #tpu.memory_space<vmem>>
        %dma_wait3A_216 = arith.constant 0 : i32
        %dma_wait3A_217 = arith.constant 0 : i32
        %dma_wait3A_218 = tpu.memref_slice %arg23[%dma_wait3A_216, %dma_wait3A_217] : memref<2048x128xf32, #tpu.memory_space<vmem_shared>> -> memref<2048x128xf32, #tpu.memory_space<vmem_shared>>
        tpu.wait_indirect_dma semaphore(%run_scoped3A_206 : memref<!tpu.dma_semaphore, #tpu.memory_space<semaphore_mem>>) src(%arg20 : memref<128x128xf32, #tpu.memory_space<vmem>>) dst(%dma_wait3A_218 : memref<2048x128xf32, #tpu.memory_space<vmem_shared>>)
        tpu.yield
      }) : () -> ()
      %add3A_198 = arith.constant 4 : i32
      %add3A_199 = arith.addi %add3A_191, %add3A_198 : i32
      %dma_start3A_200 = arith.constant 0 : i32
      %dma_start3A_201 = tpu.memref_slice %arg13[%add3A_199, %dma_start3A_200] : memref<50x128xi32, #tpu.memory_space<vmem>> -> memref<1x128xi32, #tpu.memory_space<vmem>>
      %dma_start3A_202 = tpu.memref_squeeze %dma_start3A_201 : memref<1x128xi32, #tpu.memory_space<vmem>> -> memref<128xi32, #tpu.memory_space<vmem>>
      %dma_start3A_203 = arith.constant 0 : i32
      %dma_start3A_204 = arith.constant 0 : i32
      %dma_start3A_205 = tpu.memref_slice %arg9[%dma_start3A_203, %dma_start3A_204] : memref<100000x128xf32, #tpu.memory_space<hbm>> -> memref<100000x128xf32, #tpu.memory_space<hbm>>
      tpu.enqueue_indirect_dma source(%dma_start3A_205 : memref<100000x128xf32, #tpu.memory_space<hbm>>) target(%arg20 : memref<128x128xf32, #tpu.memory_space<vmem>>) offsets(%dma_start3A_202 : memref<128xi32, #tpu.memory_space<vmem>>) semaphore(%arg27 : memref<!tpu.dma_semaphore, #tpu.memory_space<semaphore_mem>>)
    }
    %scan3A_42 = arith.constant 11 : i32
    %dma_wait3A = arith.constant 44 : i32
    %dma_wait3A_43 = arith.constant 0 : i32
    %dma_wait3A_44 = tpu.memref_slice %arg13[%dma_wait3A, %dma_wait3A_43] : memref<50x128xi32, #tpu.memory_space<vmem>> -> memref<1x128xi32, #tpu.memory_space<vmem>>
    %dma_wait3A_45 = tpu.memref_squeeze %dma_wait3A_44 : memref<1x128xi32, #tpu.memory_space<vmem>> -> memref<128xi32, #tpu.memory_space<vmem>>
    %dma_wait3A_46 = arith.constant 0 : i32
    %dma_wait3A_47 = arith.constant 0 : i32
    %dma_wait3A_48 = tpu.memref_slice %arg9[%dma_wait3A_46, %dma_wait3A_47] : memref<100000x128xf32, #tpu.memory_space<hbm>> -> memref<100000x128xf32, #tpu.memory_space<hbm>>
    tpu.wait_indirect_dma semaphore(%arg24 : memref<!tpu.dma_semaphore, #tpu.memory_space<semaphore_mem>>) src(%dma_wait3A_48 : memref<100000x128xf32, #tpu.memory_space<hbm>>) dst(%arg17 : memref<128x128xf32, #tpu.memory_space<vmem>>)
    %run_scoped3A = arith.constant 44 : i32
    "tpu.region"() ({
      %run_scoped3A_133 = tpu.sem_alloc : memref<!tpu.dma_semaphore, #tpu.memory_space<semaphore_mem>>
      %dma_start3A_134 = arith.constant 0 : i32
      %dma_start3A_135 = tpu.memref_slice %arg14[%run_scoped3A, %dma_start3A_134] : memref<50x128xi32, #tpu.memory_space<vmem>> -> memref<1x128xi32, #tpu.memory_space<vmem>>
      %dma_start3A_136 = tpu.memref_squeeze %dma_start3A_135 : memref<1x128xi32, #tpu.memory_space<vmem>> -> memref<128xi32, #tpu.memory_space<vmem>>
      %dma_start3A_137 = arith.constant 0 : i32
      %dma_start3A_138 = arith.constant 0 : i32
      %dma_start3A_139 = tpu.memref_slice %arg23[%dma_start3A_137, %dma_start3A_138] : memref<2048x128xf32, #tpu.memory_space<vmem_shared>> -> memref<2048x128xf32, #tpu.memory_space<vmem_shared>>
      tpu.enqueue_indirect_dma source(%arg17 : memref<128x128xf32, #tpu.memory_space<vmem>>) target(%dma_start3A_139 : memref<2048x128xf32, #tpu.memory_space<vmem_shared>>) offsets(%dma_start3A_136 : memref<128xi32, #tpu.memory_space<vmem>>) semaphore(%run_scoped3A_133 : memref<!tpu.dma_semaphore, #tpu.memory_space<semaphore_mem>>) {add = true}
      %dma_wait3A_140 = arith.constant 0 : i32
      %dma_wait3A_141 = tpu.memref_slice %arg14[%run_scoped3A, %dma_wait3A_140] : memref<50x128xi32, #tpu.memory_space<vmem>> -> memref<1x128xi32, #tpu.memory_space<vmem>>
      %dma_wait3A_142 = tpu.memref_squeeze %dma_wait3A_141 : memref<1x128xi32, #tpu.memory_space<vmem>> -> memref<128xi32, #tpu.memory_space<vmem>>
      %dma_wait3A_143 = arith.constant 0 : i32
      %dma_wait3A_144 = arith.constant 0 : i32
      %dma_wait3A_145 = tpu.memref_slice %arg23[%dma_wait3A_143, %dma_wait3A_144] : memref<2048x128xf32, #tpu.memory_space<vmem_shared>> -> memref<2048x128xf32, #tpu.memory_space<vmem_shared>>
      tpu.wait_indirect_dma semaphore(%run_scoped3A_133 : memref<!tpu.dma_semaphore, #tpu.memory_space<semaphore_mem>>) src(%arg17 : memref<128x128xf32, #tpu.memory_space<vmem>>) dst(%dma_wait3A_145 : memref<2048x128xf32, #tpu.memory_space<vmem_shared>>)
      tpu.yield
    }) : () -> ()
    %dma_start3A_49 = arith.constant 48 : i32
    %dma_start3A_50 = arith.constant 0 : i32
    %dma_start3A_51 = tpu.memref_slice %arg13[%dma_start3A_49, %dma_start3A_50] : memref<50x128xi32, #tpu.memory_space<vmem>> -> memref<1x128xi32, #tpu.memory_space<vmem>>
    %dma_start3A_52 = tpu.memref_squeeze %dma_start3A_51 : memref<1x128xi32, #tpu.memory_space<vmem>> -> memref<128xi32, #tpu.memory_space<vmem>>
    %dma_start3A_53 = arith.constant 0 : i32
    %dma_start3A_54 = arith.constant 0 : i32
    %dma_start3A_55 = tpu.memref_slice %arg9[%dma_start3A_53, %dma_start3A_54] : memref<100000x128xf32, #tpu.memory_space<hbm>> -> memref<100000x128xf32, #tpu.memory_space<hbm>>
    tpu.enqueue_indirect_dma source(%dma_start3A_55 : memref<100000x128xf32, #tpu.memory_space<hbm>>) target(%arg17 : memref<128x128xf32, #tpu.memory_space<vmem>>) offsets(%dma_start3A_52 : memref<128xi32, #tpu.memory_space<vmem>>) semaphore(%arg24 : memref<!tpu.dma_semaphore, #tpu.memory_space<semaphore_mem>>)
    %dma_wait3A_56 = arith.constant 45 : i32
    %dma_wait3A_57 = arith.constant 0 : i32
    %dma_wait3A_58 = tpu.memref_slice %arg13[%dma_wait3A_56, %dma_wait3A_57] : memref<50x128xi32, #tpu.memory_space<vmem>> -> memref<1x128xi32, #tpu.memory_space<vmem>>
    %dma_wait3A_59 = tpu.memref_squeeze %dma_wait3A_58 : memref<1x128xi32, #tpu.memory_space<vmem>> -> memref<128xi32, #tpu.memory_space<vmem>>
    %dma_wait3A_60 = arith.constant 0 : i32
    %dma_wait3A_61 = arith.constant 0 : i32
    %dma_wait3A_62 = tpu.memref_slice %arg9[%dma_wait3A_60, %dma_wait3A_61] : memref<100000x128xf32, #tpu.memory_space<hbm>> -> memref<100000x128xf32, #tpu.memory_space<hbm>>
    tpu.wait_indirect_dma semaphore(%arg25 : memref<!tpu.dma_semaphore, #tpu.memory_space<semaphore_mem>>) src(%dma_wait3A_62 : memref<100000x128xf32, #tpu.memory_space<hbm>>) dst(%arg18 : memref<128x128xf32, #tpu.memory_space<vmem>>)
    %run_scoped3A_63 = arith.constant 45 : i32
    "tpu.region"() ({
      %run_scoped3A_133 = tpu.sem_alloc : memref<!tpu.dma_semaphore, #tpu.memory_space<semaphore_mem>>
      %dma_start3A_134 = arith.constant 0 : i32
      %dma_start3A_135 = tpu.memref_slice %arg14[%run_scoped3A_63, %dma_start3A_134] : memref<50x128xi32, #tpu.memory_space<vmem>> -> memref<1x128xi32, #tpu.memory_space<vmem>>
      %dma_start3A_136 = tpu.memref_squeeze %dma_start3A_135 : memref<1x128xi32, #tpu.memory_space<vmem>> -> memref<128xi32, #tpu.memory_space<vmem>>
      %dma_start3A_137 = arith.constant 0 : i32
      %dma_start3A_138 = arith.constant 0 : i32
      %dma_start3A_139 = tpu.memref_slice %arg23[%dma_start3A_137, %dma_start3A_138] : memref<2048x128xf32, #tpu.memory_space<vmem_shared>> -> memref<2048x128xf32, #tpu.memory_space<vmem_shared>>
      tpu.enqueue_indirect_dma source(%arg18 : memref<128x128xf32, #tpu.memory_space<vmem>>) target(%dma_start3A_139 : memref<2048x128xf32, #tpu.memory_space<vmem_shared>>) offsets(%dma_start3A_136 : memref<128xi32, #tpu.memory_space<vmem>>) semaphore(%run_scoped3A_133 : memref<!tpu.dma_semaphore, #tpu.memory_space<semaphore_mem>>) {add = true}
      %dma_wait3A_140 = arith.constant 0 : i32
      %dma_wait3A_141 = tpu.memref_slice %arg14[%run_scoped3A_63, %dma_wait3A_140] : memref<50x128xi32, #tpu.memory_space<vmem>> -> memref<1x128xi32, #tpu.memory_space<vmem>>
      %dma_wait3A_142 = tpu.memref_squeeze %dma_wait3A_141 : memref<1x128xi32, #tpu.memory_space<vmem>> -> memref<128xi32, #tpu.memory_space<vmem>>
      %dma_wait3A_143 = arith.constant 0 : i32
      %dma_wait3A_144 = arith.constant 0 : i32
      %dma_wait3A_145 = tpu.memref_slice %arg23[%dma_wait3A_143, %dma_wait3A_144] : memref<2048x128xf32, #tpu.memory_space<vmem_shared>> -> memref<2048x128xf32, #tpu.memory_space<vmem_shared>>
      tpu.wait_indirect_dma semaphore(%run_scoped3A_133 : memref<!tpu.dma_semaphore, #tpu.memory_space<semaphore_mem>>) src(%arg18 : memref<128x128xf32, #tpu.memory_space<vmem>>) dst(%dma_wait3A_145 : memref<2048x128xf32, #tpu.memory_space<vmem_shared>>)
      tpu.yield
    }) : () -> ()
    %dma_start3A_64 = arith.constant 49 : i32
    %dma_start3A_65 = arith.constant 0 : i32
    %dma_start3A_66 = tpu.memref_slice %arg13[%dma_start3A_64, %dma_start3A_65] : memref<50x128xi32, #tpu.memory_space<vmem>> -> memref<1x128xi32, #tpu.memory_space<vmem>>
    %dma_start3A_67 = tpu.memref_squeeze %dma_start3A_66 : memref<1x128xi32, #tpu.memory_space<vmem>> -> memref<128xi32, #tpu.memory_space<vmem>>
    %dma_start3A_68 = arith.constant 0 : i32
    %dma_start3A_69 = arith.constant 0 : i32
    %dma_start3A_70 = tpu.memref_slice %arg9[%dma_start3A_68, %dma_start3A_69] : memref<100000x128xf32, #tpu.memory_space<hbm>> -> memref<100000x128xf32, #tpu.memory_space<hbm>>
    tpu.enqueue_indirect_dma source(%dma_start3A_70 : memref<100000x128xf32, #tpu.memory_space<hbm>>) target(%arg18 : memref<128x128xf32, #tpu.memory_space<vmem>>) offsets(%dma_start3A_67 : memref<128xi32, #tpu.memory_space<vmem>>) semaphore(%arg25 : memref<!tpu.dma_semaphore, #tpu.memory_space<semaphore_mem>>)
    %dma_wait3A_71 = arith.constant 46 : i32
    %dma_wait3A_72 = arith.constant 0 : i32
    %dma_wait3A_73 = tpu.memref_slice %arg13[%dma_wait3A_71, %dma_wait3A_72] : memref<50x128xi32, #tpu.memory_space<vmem>> -> memref<1x128xi32, #tpu.memory_space<vmem>>
    %dma_wait3A_74 = tpu.memref_squeeze %dma_wait3A_73 : memref<1x128xi32, #tpu.memory_space<vmem>> -> memref<128xi32, #tpu.memory_space<vmem>>
    %dma_wait3A_75 = arith.constant 0 : i32
    %dma_wait3A_76 = arith.constant 0 : i32
    %dma_wait3A_77 = tpu.memref_slice %arg9[%dma_wait3A_75, %dma_wait3A_76] : memref<100000x128xf32, #tpu.memory_space<hbm>> -> memref<100000x128xf32, #tpu.memory_space<hbm>>
    tpu.wait_indirect_dma semaphore(%arg26 : memref<!tpu.dma_semaphore, #tpu.memory_space<semaphore_mem>>) src(%dma_wait3A_77 : memref<100000x128xf32, #tpu.memory_space<hbm>>) dst(%arg19 : memref<128x128xf32, #tpu.memory_space<vmem>>)
    %run_scoped3A_78 = arith.constant 46 : i32
    "tpu.region"() ({
      %run_scoped3A_133 = tpu.sem_alloc : memref<!tpu.dma_semaphore, #tpu.memory_space<semaphore_mem>>
      %dma_start3A_134 = arith.constant 0 : i32
      %dma_start3A_135 = tpu.memref_slice %arg14[%run_scoped3A_78, %dma_start3A_134] : memref<50x128xi32, #tpu.memory_space<vmem>> -> memref<1x128xi32, #tpu.memory_space<vmem>>
      %dma_start3A_136 = tpu.memref_squeeze %dma_start3A_135 : memref<1x128xi32, #tpu.memory_space<vmem>> -> memref<128xi32, #tpu.memory_space<vmem>>
      %dma_start3A_137 = arith.constant 0 : i32
      %dma_start3A_138 = arith.constant 0 : i32
      %dma_start3A_139 = tpu.memref_slice %arg23[%dma_start3A_137, %dma_start3A_138] : memref<2048x128xf32, #tpu.memory_space<vmem_shared>> -> memref<2048x128xf32, #tpu.memory_space<vmem_shared>>
      tpu.enqueue_indirect_dma source(%arg19 : memref<128x128xf32, #tpu.memory_space<vmem>>) target(%dma_start3A_139 : memref<2048x128xf32, #tpu.memory_space<vmem_shared>>) offsets(%dma_start3A_136 : memref<128xi32, #tpu.memory_space<vmem>>) semaphore(%run_scoped3A_133 : memref<!tpu.dma_semaphore, #tpu.memory_space<semaphore_mem>>) {add = true}
      %dma_wait3A_140 = arith.constant 0 : i32
      %dma_wait3A_141 = tpu.memref_slice %arg14[%run_scoped3A_78, %dma_wait3A_140] : memref<50x128xi32, #tpu.memory_space<vmem>> -> memref<1x128xi32, #tpu.memory_space<vmem>>
      %dma_wait3A_142 = tpu.memref_squeeze %dma_wait3A_141 : memref<1x128xi32, #tpu.memory_space<vmem>> -> memref<128xi32, #tpu.memory_space<vmem>>
      %dma_wait3A_143 = arith.constant 0 : i32
      %dma_wait3A_144 = arith.constant 0 : i32
      %dma_wait3A_145 = tpu.memref_slice %arg23[%dma_wait3A_143, %dma_wait3A_144] : memref<2048x128xf32, #tpu.memory_space<vmem_shared>> -> memref<2048x128xf32, #tpu.memory_space<vmem_shared>>
      tpu.wait_indirect_dma semaphore(%run_scoped3A_133 : memref<!tpu.dma_semaphore, #tpu.memory_space<semaphore_mem>>) src(%arg19 : memref<128x128xf32, #tpu.memory_space<vmem>>) dst(%dma_wait3A_145 : memref<2048x128xf32, #tpu.memory_space<vmem_shared>>)
      tpu.yield
    }) : () -> ()
    %dma_wait3A_79 = arith.constant 47 : i32
    %dma_wait3A_80 = arith.constant 0 : i32
    %dma_wait3A_81 = tpu.memref_slice %arg13[%dma_wait3A_79, %dma_wait3A_80] : memref<50x128xi32, #tpu.memory_space<vmem>> -> memref<1x128xi32, #tpu.memory_space<vmem>>
    %dma_wait3A_82 = tpu.memref_squeeze %dma_wait3A_81 : memref<1x128xi32, #tpu.memory_space<vmem>> -> memref<128xi32, #tpu.memory_space<vmem>>
    %dma_wait3A_83 = arith.constant 0 : i32
    %dma_wait3A_84 = arith.constant 0 : i32
    %dma_wait3A_85 = tpu.memref_slice %arg9[%dma_wait3A_83, %dma_wait3A_84] : memref<100000x128xf32, #tpu.memory_space<hbm>> -> memref<100000x128xf32, #tpu.memory_space<hbm>>
    tpu.wait_indirect_dma semaphore(%arg27 : memref<!tpu.dma_semaphore, #tpu.memory_space<semaphore_mem>>) src(%dma_wait3A_85 : memref<100000x128xf32, #tpu.memory_space<hbm>>) dst(%arg20 : memref<128x128xf32, #tpu.memory_space<vmem>>)
    %run_scoped3A_86 = arith.constant 47 : i32
    "tpu.region"() ({
      %run_scoped3A_133 = tpu.sem_alloc : memref<!tpu.dma_semaphore, #tpu.memory_space<semaphore_mem>>
      %dma_start3A_134 = arith.constant 0 : i32
      %dma_start3A_135 = tpu.memref_slice %arg14[%run_scoped3A_86, %dma_start3A_134] : memref<50x128xi32, #tpu.memory_space<vmem>> -> memref<1x128xi32, #tpu.memory_space<vmem>>
      %dma_start3A_136 = tpu.memref_squeeze %dma_start3A_135 : memref<1x128xi32, #tpu.memory_space<vmem>> -> memref<128xi32, #tpu.memory_space<vmem>>
      %dma_start3A_137 = arith.constant 0 : i32
      %dma_start3A_138 = arith.constant 0 : i32
      %dma_start3A_139 = tpu.memref_slice %arg23[%dma_start3A_137, %dma_start3A_138] : memref<2048x128xf32, #tpu.memory_space<vmem_shared>> -> memref<2048x128xf32, #tpu.memory_space<vmem_shared>>
      tpu.enqueue_indirect_dma source(%arg20 : memref<128x128xf32, #tpu.memory_space<vmem>>) target(%dma_start3A_139 : memref<2048x128xf32, #tpu.memory_space<vmem_shared>>) offsets(%dma_start3A_136 : memref<128xi32, #tpu.memory_space<vmem>>) semaphore(%run_scoped3A_133 : memref<!tpu.dma_semaphore, #tpu.memory_space<semaphore_mem>>) {add = true}
      %dma_wait3A_140 = arith.constant 0 : i32
      %dma_wait3A_141 = tpu.memref_slice %arg14[%run_scoped3A_86, %dma_wait3A_140] : memref<50x128xi32, #tpu.memory_space<vmem>> -> memref<1x128xi32, #tpu.memory_space<vmem>>
      %dma_wait3A_142 = tpu.memref_squeeze %dma_wait3A_141 : memref<1x128xi32, #tpu.memory_space<vmem>> -> memref<128xi32, #tpu.memory_space<vmem>>
      %dma_wait3A_143 = arith.constant 0 : i32
      %dma_wait3A_144 = arith.constant 0 : i32
      %dma_wait3A_145 = tpu.memref_slice %arg23[%dma_wait3A_143, %dma_wait3A_144] : memref<2048x128xf32, #tpu.memory_space<vmem_shared>> -> memref<2048x128xf32, #tpu.memory_space<vmem_shared>>
      tpu.wait_indirect_dma semaphore(%run_scoped3A_133 : memref<!tpu.dma_semaphore, #tpu.memory_space<semaphore_mem>>) src(%arg20 : memref<128x128xf32, #tpu.memory_space<vmem>>) dst(%dma_wait3A_145 : memref<2048x128xf32, #tpu.memory_space<vmem_shared>>)
      tpu.yield
    }) : () -> ()
    %dma_wait3A_87 = arith.constant 48 : i32
    %dma_wait3A_88 = arith.constant 0 : i32
    %dma_wait3A_89 = tpu.memref_slice %arg13[%dma_wait3A_87, %dma_wait3A_88] : memref<50x128xi32, #tpu.memory_space<vmem>> -> memref<1x128xi32, #tpu.memory_space<vmem>>
    %dma_wait3A_90 = tpu.memref_squeeze %dma_wait3A_89 : memref<1x128xi32, #tpu.memory_space<vmem>> -> memref<128xi32, #tpu.memory_space<vmem>>
    %dma_wait3A_91 = arith.constant 0 : i32
    %dma_wait3A_92 = arith.constant 0 : i32
    %dma_wait3A_93 = tpu.memref_slice %arg9[%dma_wait3A_91, %dma_wait3A_92] : memref<100000x128xf32, #tpu.memory_space<hbm>> -> memref<100000x128xf32, #tpu.memory_space<hbm>>
    tpu.wait_indirect_dma semaphore(%arg24 : memref<!tpu.dma_semaphore, #tpu.memory_space<semaphore_mem>>) src(%dma_wait3A_93 : memref<100000x128xf32, #tpu.memory_space<hbm>>) dst(%arg17 : memref<128x128xf32, #tpu.memory_space<vmem>>)
    %run_scoped3A_94 = arith.constant 48 : i32
    "tpu.region"() ({
      %run_scoped3A_133 = tpu.sem_alloc : memref<!tpu.dma_semaphore, #tpu.memory_space<semaphore_mem>>
      %dma_start3A_134 = arith.constant 0 : i32
      %dma_start3A_135 = tpu.memref_slice %arg14[%run_scoped3A_94, %dma_start3A_134] : memref<50x128xi32, #tpu.memory_space<vmem>> -> memref<1x128xi32, #tpu.memory_space<vmem>>
      %dma_start3A_136 = tpu.memref_squeeze %dma_start3A_135 : memref<1x128xi32, #tpu.memory_space<vmem>> -> memref<128xi32, #tpu.memory_space<vmem>>
      %dma_start3A_137 = arith.constant 0 : i32
      %dma_start3A_138 = arith.constant 0 : i32
      %dma_start3A_139 = tpu.memref_slice %arg23[%dma_start3A_137, %dma_start3A_138] : memref<2048x128xf32, #tpu.memory_space<vmem_shared>> -> memref<2048x128xf32, #tpu.memory_space<vmem_shared>>
      tpu.enqueue_indirect_dma source(%arg17 : memref<128x128xf32, #tpu.memory_space<vmem>>) target(%dma_start3A_139 : memref<2048x128xf32, #tpu.memory_space<vmem_shared>>) offsets(%dma_start3A_136 : memref<128xi32, #tpu.memory_space<vmem>>) semaphore(%run_scoped3A_133 : memref<!tpu.dma_semaphore, #tpu.memory_space<semaphore_mem>>) {add = true}
      %dma_wait3A_140 = arith.constant 0 : i32
      %dma_wait3A_141 = tpu.memref_slice %arg14[%run_scoped3A_94, %dma_wait3A_140] : memref<50x128xi32, #tpu.memory_space<vmem>> -> memref<1x128xi32, #tpu.memory_space<vmem>>
      %dma_wait3A_142 = tpu.memref_squeeze %dma_wait3A_141 : memref<1x128xi32, #tpu.memory_space<vmem>> -> memref<128xi32, #tpu.memory_space<vmem>>
      %dma_wait3A_143 = arith.constant 0 : i32
      %dma_wait3A_144 = arith.constant 0 : i32
      %dma_wait3A_145 = tpu.memref_slice %arg23[%dma_wait3A_143, %dma_wait3A_144] : memref<2048x128xf32, #tpu.memory_space<vmem_shared>> -> memref<2048x128xf32, #tpu.memory_space<vmem_shared>>
      tpu.wait_indirect_dma semaphore(%run_scoped3A_133 : memref<!tpu.dma_semaphore, #tpu.memory_space<semaphore_mem>>) src(%arg17 : memref<128x128xf32, #tpu.memory_space<vmem>>) dst(%dma_wait3A_145 : memref<2048x128xf32, #tpu.memory_space<vmem_shared>>)
      tpu.yield
    }) : () -> ()
    %dma_wait3A_95 = arith.constant 49 : i32
    %dma_wait3A_96 = arith.constant 0 : i32
    %dma_wait3A_97 = tpu.memref_slice %arg13[%dma_wait3A_95, %dma_wait3A_96] : memref<50x128xi32, #tpu.memory_space<vmem>> -> memref<1x128xi32, #tpu.memory_space<vmem>>
    %dma_wait3A_98 = tpu.memref_squeeze %dma_wait3A_97 : memref<1x128xi32, #tpu.memory_space<vmem>> -> memref<128xi32, #tpu.memory_space<vmem>>
    %dma_wait3A_99 = arith.constant 0 : i32
    %dma_wait3A_100 = arith.constant 0 : i32
    %dma_wait3A_101 = tpu.memref_slice %arg9[%dma_wait3A_99, %dma_wait3A_100] : memref<100000x128xf32, #tpu.memory_space<hbm>> -> memref<100000x128xf32, #tpu.memory_space<hbm>>
    tpu.wait_indirect_dma semaphore(%arg25 : memref<!tpu.dma_semaphore, #tpu.memory_space<semaphore_mem>>) src(%dma_wait3A_101 : memref<100000x128xf32, #tpu.memory_space<hbm>>) dst(%arg18 : memref<128x128xf32, #tpu.memory_space<vmem>>)
    %run_scoped3A_102 = arith.constant 49 : i32
    "tpu.region"() ({
      %run_scoped3A_133 = tpu.sem_alloc : memref<!tpu.dma_semaphore, #tpu.memory_space<semaphore_mem>>
      %dma_start3A_134 = arith.constant 0 : i32
      %dma_start3A_135 = tpu.memref_slice %arg14[%run_scoped3A_102, %dma_start3A_134] : memref<50x128xi32, #tpu.memory_space<vmem>> -> memref<1x128xi32, #tpu.memory_space<vmem>>
      %dma_start3A_136 = tpu.memref_squeeze %dma_start3A_135 : memref<1x128xi32, #tpu.memory_space<vmem>> -> memref<128xi32, #tpu.memory_space<vmem>>
      %dma_start3A_137 = arith.constant 0 : i32
      %dma_start3A_138 = arith.constant 0 : i32
      %dma_start3A_139 = tpu.memref_slice %arg23[%dma_start3A_137, %dma_start3A_138] : memref<2048x128xf32, #tpu.memory_space<vmem_shared>> -> memref<2048x128xf32, #tpu.memory_space<vmem_shared>>
      tpu.enqueue_indirect_dma source(%arg18 : memref<128x128xf32, #tpu.memory_space<vmem>>) target(%dma_start3A_139 : memref<2048x128xf32, #tpu.memory_space<vmem_shared>>) offsets(%dma_start3A_136 : memref<128xi32, #tpu.memory_space<vmem>>) semaphore(%run_scoped3A_133 : memref<!tpu.dma_semaphore, #tpu.memory_space<semaphore_mem>>) {add = true}
      %dma_wait3A_140 = arith.constant 0 : i32
      %dma_wait3A_141 = tpu.memref_slice %arg14[%run_scoped3A_102, %dma_wait3A_140] : memref<50x128xi32, #tpu.memory_space<vmem>> -> memref<1x128xi32, #tpu.memory_space<vmem>>
      %dma_wait3A_142 = tpu.memref_squeeze %dma_wait3A_141 : memref<1x128xi32, #tpu.memory_space<vmem>> -> memref<128xi32, #tpu.memory_space<vmem>>
      %dma_wait3A_143 = arith.constant 0 : i32
      %dma_wait3A_144 = arith.constant 0 : i32
      %dma_wait3A_145 = tpu.memref_slice %arg23[%dma_wait3A_143, %dma_wait3A_144] : memref<2048x128xf32, #tpu.memory_space<vmem_shared>> -> memref<2048x128xf32, #tpu.memory_space<vmem_shared>>
      tpu.wait_indirect_dma semaphore(%run_scoped3A_133 : memref<!tpu.dma_semaphore, #tpu.memory_space<semaphore_mem>>) src(%arg18 : memref<128x128xf32, #tpu.memory_space<vmem>>) dst(%dma_wait3A_145 : memref<2048x128xf32, #tpu.memory_space<vmem_shared>>)
      tpu.yield
    }) : () -> ()
    %dma_start3A_103 = arith.constant 0 : i32
    %dma_start3A_104 = tpu.memref_slice %arg12[%mul3A_2, %dma_start3A_103] : memref<4096x128xf32, #tpu.memory_space<hbm>> -> memref<128x128xf32, #tpu.memory_space<hbm>>
    %dma_start3A_105 = arith.constant 0 : i32
    %dma_start3A_106 = tpu.memref_slice %arg23[%mul3A_4, %dma_start3A_105] : memref<2048x128xf32, #tpu.memory_space<vmem_shared>> -> memref<128x128xf32, #tpu.memory_space<vmem_shared>>
    tpu.enqueue_dma source(%dma_start3A_106 : memref<128x128xf32, #tpu.memory_space<vmem_shared>>) target(%dma_start3A_104 : memref<128x128xf32, #tpu.memory_space<hbm>>) target_semaphore(%arg24 : memref<!tpu.dma_semaphore, #tpu.memory_space<semaphore_mem>>)
    %dma_wait3A_107 = arith.constant 0 : i32
    %dma_wait3A_108 = arith.constant 0 : i32
    %dma_wait3A_109 = tpu.memref_slice %arg7[%dma_wait3A_107, %dma_wait3A_108] : memref<10x128xf32, #tpu.memory_space<hbm>> -> memref<10x128xf32, #tpu.memory_space<hbm>>
    tpu.wait_indirect_dma semaphore(%arg28 : memref<!tpu.dma_semaphore, #tpu.memory_space<semaphore_mem>>) src(%dma_wait3A_109 : memref<10x128xf32, #tpu.memory_space<hbm>>) dst(%arg21 : memref<128x128xf32, #tpu.memory_space<vmem>>)
    %dma_start3A_110 = arith.constant 0 : i32
    %dma_start3A_111 = tpu.memref_slice %arg10[%mul3A_2, %dma_start3A_110] : memref<4096x128xf32, #tpu.memory_space<hbm>> -> memref<128x128xf32, #tpu.memory_space<hbm>>
    %dma_start3A_112 = arith.constant 0 : i32
    %dma_start3A_113 = tpu.memref_slice %arg10[%mul3A_2, %dma_start3A_112] : memref<4096x128xf32, #tpu.memory_space<hbm>> -> memref<128x128xf32, #tpu.memory_space<hbm>>
    tpu.enqueue_dma source(%arg21 : memref<128x128xf32, #tpu.memory_space<vmem>>) target(%dma_start3A_113 : memref<128x128xf32, #tpu.memory_space<hbm>>) target_semaphore(%arg28 : memref<!tpu.dma_semaphore, #tpu.memory_space<semaphore_mem>>)
    %dma_wait3A_114 = arith.constant 0 : i32
    %dma_wait3A_115 = arith.constant 0 : i32
    %dma_wait3A_116 = tpu.memref_slice %arg8[%dma_wait3A_114, %dma_wait3A_115] : memref<1000x128xf32, #tpu.memory_space<hbm>> -> memref<1000x128xf32, #tpu.memory_space<hbm>>
    tpu.wait_indirect_dma semaphore(%arg29 : memref<!tpu.dma_semaphore, #tpu.memory_space<semaphore_mem>>) src(%dma_wait3A_116 : memref<1000x128xf32, #tpu.memory_space<hbm>>) dst(%arg22 : memref<128x128xf32, #tpu.memory_space<vmem>>)
    %dma_start3A_117 = arith.constant 0 : i32
    %dma_start3A_118 = tpu.memref_slice %arg11[%mul3A_2, %dma_start3A_117] : memref<4096x128xf32, #tpu.memory_space<hbm>> -> memref<128x128xf32, #tpu.memory_space<hbm>>
    %dma_start3A_119 = arith.constant 0 : i32
    %dma_start3A_120 = tpu.memref_slice %arg11[%mul3A_2, %dma_start3A_119] : memref<4096x128xf32, #tpu.memory_space<hbm>> -> memref<128x128xf32, #tpu.memory_space<hbm>>
    tpu.enqueue_dma source(%arg22 : memref<128x128xf32, #tpu.memory_space<vmem>>) target(%dma_start3A_120 : memref<128x128xf32, #tpu.memory_space<hbm>>) target_semaphore(%arg29 : memref<!tpu.dma_semaphore, #tpu.memory_space<semaphore_mem>>)
    %dma_wait3A_121 = arith.constant 0 : i32
    %dma_wait3A_122 = tpu.memref_slice %arg10[%mul3A_2, %dma_wait3A_121] : memref<4096x128xf32, #tpu.memory_space<hbm>> -> memref<128x128xf32, #tpu.memory_space<hbm>>
    %dma_wait3A_123 = arith.constant 0 : i32
    %dma_wait3A_124 = tpu.memref_slice %arg10[%mul3A_2, %dma_wait3A_123] : memref<4096x128xf32, #tpu.memory_space<hbm>> -> memref<128x128xf32, #tpu.memory_space<hbm>>
    tpu.wait_dma2 semaphore(%arg28 : memref<!tpu.dma_semaphore, #tpu.memory_space<semaphore_mem>>) src(%arg21 : memref<128x128xf32, #tpu.memory_space<vmem>>) dst(%dma_wait3A_124 : memref<128x128xf32, #tpu.memory_space<hbm>>)
    %dma_wait3A_125 = arith.constant 0 : i32
    %dma_wait3A_126 = tpu.memref_slice %arg11[%mul3A_2, %dma_wait3A_125] : memref<4096x128xf32, #tpu.memory_space<hbm>> -> memref<128x128xf32, #tpu.memory_space<hbm>>
    %dma_wait3A_127 = arith.constant 0 : i32
    %dma_wait3A_128 = tpu.memref_slice %arg11[%mul3A_2, %dma_wait3A_127] : memref<4096x128xf32, #tpu.memory_space<hbm>> -> memref<128x128xf32, #tpu.memory_space<hbm>>
    tpu.wait_dma2 semaphore(%arg29 : memref<!tpu.dma_semaphore, #tpu.memory_space<semaphore_mem>>) src(%arg22 : memref<128x128xf32, #tpu.memory_space<vmem>>) dst(%dma_wait3A_128 : memref<128x128xf32, #tpu.memory_space<hbm>>)
    %dma_wait3A_129 = arith.constant 0 : i32
    %dma_wait3A_130 = tpu.memref_slice %arg12[%mul3A_2, %dma_wait3A_129] : memref<4096x128xf32, #tpu.memory_space<hbm>> -> memref<128x128xf32, #tpu.memory_space<hbm>>
    %dma_wait3A_131 = arith.constant 0 : i32
    %dma_wait3A_132 = tpu.memref_slice %arg23[%mul3A_4, %dma_wait3A_131] : memref<2048x128xf32, #tpu.memory_space<vmem_shared>> -> memref<128x128xf32, #tpu.memory_space<vmem_shared>>
    tpu.wait_dma2 semaphore(%arg24 : memref<!tpu.dma_semaphore, #tpu.memory_space<semaphore_mem>>) src(%dma_wait3A_132 : memref<128x128xf32, #tpu.memory_space<vmem_shared>>) dst(%dma_wait3A_130 : memref<128x128xf32, #tpu.memory_space<hbm>>)
    return
  }
}

module attributes {stable_mosaic.version = 14 : i64} {
  func.func @body(%arg0: i32, %arg1: memref<512x50xi32, #tpu.memory_space<vmem>>, %arg2: memref<512x128xf32, #tpu.memory_space<vmem>>, %arg3: memref<512x128xf32, #tpu.memory_space<vmem>>, %arg4: memref<512x128xf32, #tpu.memory_space<vmem>>, %arg5: memref<2048x384xf32, #tpu.memory_space<vmem>>, %arg6: memref<1x2048xf32, #tpu.memory_space<vmem>>, %arg7: memref<3x512x128xf32, #tpu.memory_space<vmem>>, %arg8: memref<512x1x2048xf32, #tpu.memory_space<vmem>>) attributes {dimension_semantics = [#tpu.dimension_semantics<arbitrary>], iteration_bounds = array<i64: 8>, scalar_prefetch = 0 : i64, scratch_operands = 0 : i64, tpu.core_type = #tpu.core_type<tc>, window_params = [{transform_indices = @transform_0, window_bounds = array<i64: 512, 50>}, {transform_indices = @transform_1, window_bounds = array<i64: 512, 128>}, {transform_indices = @transform_2, window_bounds = array<i64: 512, 128>}, {transform_indices = @transform_3, window_bounds = array<i64: 512, 128>}, {pipeline_mode = #tpu.pipeline_mode<synchronous>, transform_indices = @transform_4, window_bounds = array<i64: 2048, 384>}, {pipeline_mode = #tpu.pipeline_mode<synchronous>, transform_indices = @transform_5, window_bounds = array<i64: 1, 2048>}, {transform_indices = @transform_6, window_bounds = array<i64: 3, 512, 128>}, {transform_indices = @transform_7, window_bounds = array<i64: 512, 1, 2048>}]} {
    %get3A = arith.constant 0 : index
    %get3A_0 = arith.constant 0 : index
    %get3A_1 = vector.load %arg1[%get3A, %get3A_0] : memref<512x50xi32, #tpu.memory_space<vmem>>, vector<512x50xi32>
    %ne3A = arith.constant 0 : i32
    %ne3A_2 = vector.broadcast %ne3A : i32 to vector<512x50xi32>
    %ne3A_3 = arith.cmpi ne, %get3A_1, %ne3A_2 : vector<512x50xi32>
    %convert_element_type3A = arith.extui %ne3A_3 : vector<512x50xi1> to vector<512x50xi32>
    %convert_element_type3A_4 = arith.sitofp %convert_element_type3A : vector<512x50xi32> to vector<512x50xf32>
    %reduce_sum3A = arith.constant dense<0.000000e+00> : vector<512xf32>
    %reduce_sum3A_5 = vector.multi_reduction <add>, %convert_element_type3A_4, %reduce_sum3A [1] : vector<512x50xf32> to vector<512xf32>
    %broadcast_in_dim3A = vector.shape_cast %reduce_sum3A_5 : vector<512xf32> to vector<512x1xf32>
    %get3A_6 = arith.constant 0 : index
    %get3A_7 = arith.constant 0 : index
    %get3A_8 = vector.load %arg4[%get3A_6, %get3A_7] : memref<512x128xf32, #tpu.memory_space<vmem>>, vector<512x128xf32>
    %div3A = vector.broadcast %broadcast_in_dim3A : vector<512x1xf32> to vector<512x128xf32>
    %div3A_9 = arith.divf %get3A_8, %div3A : vector<512x128xf32>
    %get3A_10 = arith.constant 0 : index
    %get3A_11 = arith.constant 0 : index
    %get3A_12 = vector.load %arg2[%get3A_10, %get3A_11] : memref<512x128xf32, #tpu.memory_space<vmem>>, vector<512x128xf32>
    %get3A_13 = arith.constant 0 : index
    %get3A_14 = arith.constant 0 : index
    %get3A_15 = vector.load %arg3[%get3A_13, %get3A_14] : memref<512x128xf32, #tpu.memory_space<vmem>>, vector<512x128xf32>
    %concatenate3A = tpu.concatenate %get3A_12, %get3A_15, %div3A_9 in 1 : vector<512x128xf32>, vector<512x128xf32>, vector<512x128xf32> -> vector<512x384xf32>
    %get3A_16 = arith.constant 0 : index
    %get3A_17 = arith.constant 0 : index
    %get3A_18 = vector.load %arg2[%get3A_16, %get3A_17] : memref<512x128xf32, #tpu.memory_space<vmem>>, vector<512x128xf32>
    %swap3A = arith.constant 0 : index
    %swap3A_19 = arith.constant 0 : index
    %swap3A_20 = arith.constant 0 : index
    %swap3A_21 = vector.load %arg7[%swap3A, %swap3A_19, %swap3A_20] : memref<3x512x128xf32, #tpu.memory_space<vmem>>, vector<1x512x128xf32>
    %swap3A_22 = vector.shape_cast %swap3A_21 : vector<1x512x128xf32> to vector<512x128xf32>
    %swap3A_23 = vector.shape_cast %get3A_18 : vector<512x128xf32> to vector<1x512x128xf32>
    tpu.vector_store %arg7[%swap3A, %swap3A_19, %swap3A_20], %swap3A_23 {strides = array<i32>} : memref<3x512x128xf32, #tpu.memory_space<vmem>>, vector<1x512x128xf32>,
    %get3A_24 = arith.constant 0 : index
    %get3A_25 = arith.constant 0 : index
    %get3A_26 = vector.load %arg3[%get3A_24, %get3A_25] : memref<512x128xf32, #tpu.memory_space<vmem>>, vector<512x128xf32>
    %swap3A_27 = arith.constant 1 : index
    %swap3A_28 = arith.constant 0 : index
    %swap3A_29 = arith.constant 0 : index
    %swap3A_30 = vector.load %arg7[%swap3A_27, %swap3A_28, %swap3A_29] : memref<3x512x128xf32, #tpu.memory_space<vmem>>, vector<1x512x128xf32>
    %swap3A_31 = vector.shape_cast %swap3A_30 : vector<1x512x128xf32> to vector<512x128xf32>
    %swap3A_32 = vector.shape_cast %get3A_26 : vector<512x128xf32> to vector<1x512x128xf32>
    tpu.vector_store %arg7[%swap3A_27, %swap3A_28, %swap3A_29], %swap3A_32 {strides = array<i32>} : memref<3x512x128xf32, #tpu.memory_space<vmem>>, vector<1x512x128xf32>,
    %swap3A_33 = arith.constant 2 : index
    %swap3A_34 = arith.constant 0 : index
    %swap3A_35 = arith.constant 0 : index
    %swap3A_36 = vector.load %arg7[%swap3A_33, %swap3A_34, %swap3A_35] : memref<3x512x128xf32, #tpu.memory_space<vmem>>, vector<1x512x128xf32>
    %swap3A_37 = vector.shape_cast %swap3A_36 : vector<1x512x128xf32> to vector<512x128xf32>
    %swap3A_38 = vector.shape_cast %div3A_9 : vector<512x128xf32> to vector<1x512x128xf32>
    tpu.vector_store %arg7[%swap3A_33, %swap3A_34, %swap3A_35], %swap3A_38 {strides = array<i32>} : memref<3x512x128xf32, #tpu.memory_space<vmem>>, vector<1x512x128xf32>,
    %get3A_39 = arith.constant 0 : index
    %get3A_40 = arith.constant 0 : index
    %get3A_41 = vector.load %arg5[%get3A_39, %get3A_40] : memref<2048x384xf32, #tpu.memory_space<vmem>>, vector<2048x384xf32>
    %dot_general3A = arith.constant dense<0.000000e+00> : vector<512x2048xf32>
    %dot_general3A_42 = tpu.matmul %concatenate3A, %get3A_41, %dot_general3A {dimension_numbers = #tpu.dot_dimension_numbers<[1], [1], [0], [0], [0, 0, 1, 0], [], []>, transpose_lhs_hint = false} : vector<512x384xf32>, vector<2048x384xf32>, vector<512x2048xf32> -> vector<512x2048xf32>
    %get3A_43 = arith.constant 0 : index
    %get3A_44 = arith.constant 0 : index
    %get3A_45 = vector.load %arg6[%get3A_43, %get3A_44] : memref<1x2048xf32, #tpu.memory_space<vmem>>, vector<1x2048xf32>
    %add3A = vector.broadcast %get3A_45 : vector<1x2048xf32> to vector<512x2048xf32>
    %add3A_46 = arith.addf %dot_general3A_42, %add3A : vector<512x2048xf32>
    %tanh3A = math.tanh %add3A_46 : vector<512x2048xf32>
    %broadcast_in_dim3A_47 = vector.shape_cast %tanh3A : vector<512x2048xf32> to vector<512x1x2048xf32>
    %swap3A_48 = arith.constant 0 : index
    %swap3A_49 = arith.constant 0 : index
    %swap3A_50 = arith.constant 0 : index
    %swap3A_51 = vector.load %arg8[%swap3A_48, %swap3A_49, %swap3A_50] : memref<512x1x2048xf32, #tpu.memory_space<vmem>>, vector<512x1x2048xf32>
    tpu.vector_store %arg8[%swap3A_48, %swap3A_49, %swap3A_50], %broadcast_in_dim3A_47 {strides = array<i32>} : memref<512x1x2048xf32, #tpu.memory_space<vmem>>, vector<512x1x2048xf32>,
    return
  }
  func.func @transform_0(%arg0: i32) -> (i32, i32) {
    %c0_i32 = arith.constant 0 : i32
    %c0_i32_0 = arith.constant 0 : i32
    return %arg0, %c0_i32 : i32, i32
  }
  func.func @transform_1(%arg0: i32) -> (i32, i32) {
    %c0_i32 = arith.constant 0 : i32
    %c0_i32_0 = arith.constant 0 : i32
    return %arg0, %c0_i32 : i32, i32
  }
  func.func @transform_2(%arg0: i32) -> (i32, i32) {
    %c0_i32 = arith.constant 0 : i32
    %c0_i32_0 = arith.constant 0 : i32
    return %arg0, %c0_i32 : i32, i32
  }
  func.func @transform_3(%arg0: i32) -> (i32, i32) {
    %c0_i32 = arith.constant 0 : i32
    %c0_i32_0 = arith.constant 0 : i32
    return %arg0, %c0_i32 : i32, i32
  }
  func.func @transform_4(%arg0: i32) -> (i32, i32) {
    %c0_i32 = arith.constant 0 : i32
    %c0_i32_0 = arith.constant 0 : i32
    %c0_i32_1 = arith.constant 0 : i32
    return %c0_i32, %c0_i32_0 : i32, i32
  }
  func.func @transform_5(%arg0: i32) -> (i32, i32) {
    %c0_i32 = arith.constant 0 : i32
    %c0_i32_0 = arith.constant 0 : i32
    %c0_i32_1 = arith.constant 0 : i32
    return %c0_i32, %c0_i32_0 : i32, i32
  }
  func.func @transform_6(%arg0: i32) -> (i32, i32, i32) {
    %c0_i32 = arith.constant 0 : i32
    %c0_i32_0 = arith.constant 0 : i32
    %c0_i32_1 = arith.constant 0 : i32
    return %c0_i32, %arg0, %c0_i32_0 : i32, i32, i32
  }
  func.func @transform_7(%arg0: i32) -> (i32, i32, i32) {
    %c0_i32 = arith.constant 0 : i32
    %c0_i32_0 = arith.constant 0 : i32
    %c0_i32_1 = arith.constant 0 : i32
    return %arg0, %c0_i32, %c0_i32_0 : i32, i32, i32
  }
}

</mosaic_0001>

<sc_bundles>
// kernel: kernel.4.cloned.1.call-start
scs
__scs_entry_jumppad:
0x0: {  	(pc) =	sbr.rel $0x88, $3  }
0x1: {  	(tag) =	ssettag $0x0;
	lr =	simm.s32 $0x1  }
0x2: {  	[smem:$0x3F99] =	sst lr;
	_ =	strace $0xD0000000  }
0x3: {  	_ = 	snop  }
0x4: {  	_ = 	snop  }
0x5: {  	_ = 	snop  }
0x6: {  	_ = 	snop  }
0x7: {  	_ = 	snop  }
__scs_overlays_trampoline_lowered:
0x8: {  	[smem:$0x3FA8] =	sst s0  }
0x9: {  	[smem:$0x3FA9] =	sst s1  }
0xa: {  	[smem:$0x3FAA] =	sst s2  }
0xb: {  	[smem:$0x3FAB] =	sst s3  }
0xc: {  	[smem:$0x3FAC] =	sst s4  }
0xd: {  	[smem:$0x3FAD] =	sst s5  }
0xe: {  	[smem:$0x3FAE] =	sst s6  }
0xf: {  	[smem:$0x3FAF] =	sst s7  }
0x10: {  	[smem:$0x3FB0] =	sst s8  }
0x11: {  	[smem:$0x3FB1] =	sst s9;
	s0 =	simm.s32 @!p0 $0x0  }
0x12: {  	s1 =	sld [smem:$0x3F97];
	s0 =	simm.s32 @p0 $0x1  }
0x13: {  	[smem:$0x3FB2] =	sst s0;
	s0 =	simm.s32 @!p1 $0x0  }
0x14: {  	s2 =	sld [smem:$0x3F96];
	s0 =	simm.s32 @p1 $0x1  }
0x15: {  	[smem:$0x3FB3] =	sst s0;
	s0 =	simm.s32 @!p2 $0x0  }
0x16: {  	s3 =	sld [smem:$0x3FDB];
	s0 =	simm.s32 @p2 $0x1  }
0x17: {  	s4 =	simm.s32 $0x1BF5;
	[smem:$0x3FB5] =	sst s0  }
0x18: {  	s0 =	sld [smem:$0x3F98];
	_ =	swait.ge [sflag:s4], $0x0  }
0x19: {  	s7 =	sld [smem:$0x3F99]  }
0x1a: {  	s8 =	sadd.s32 $0xFFFFE003, lr  }
0x1b: {  	s9 =	sadd.s32 $0xFFFFFEF7, lr;
	s5 =	simm.s32 $0xFFFFFFFF;
	p2 =	slt.u32 s8, $0xFFFFF086  }
0x1c: {  	p1 =	slt.u32 s9, $0xF7A;
	s5 =	simm.s32 @!p2 $0x0  }
0x1d: {  	s5 =	simm.s32 @p1 $0x1;
	p0 =	seq.s32 s7, s2  }
0x1e: {  	s7 =	smul.u32 @!p0 $0xF7A, s2;
	p2 =	seq.s32 @!p0 s5, $0x0  }
0x1f: {  	s9 =	smul.u32 $0xF7A, s1;
	s8 =	simm.s32 @!p0 $0x1BF5;
	p2 =	por !p2, p0  }
0x20: {  	[sflag:s8] =	ssyncset.s32 @!p0 $0xFFFFF086;
	s6 =	sadd.s32 @!p0 s3, s7;
	s7 =	simm.s32 @!p0 $0x108  }
0x21: {  	s3 =	sadd.s32 s3, s9;
	s6 =	sadd.s32 @!p0 $0x88, s6;
	s7 =	simm.s32 @p2 $0x1082  }
0x22: {  	[simem:s7], [sflag:s8] =	dma.local @!p0 [hbm:s6], $0xF7A  }
0x23: {  	s9 =	sor.u32 $0xD0000000, s2;
	s6 =	simm.s32 $0x108;
	_ =	swait.ge @!p0 [sflag:s8], $0x0  }
0x24: {  	s3 =	sadd.s32 $0x88, s3;
	s6 =	simm.s32 @!p1 $0x1082;
	[sflag:s4] =	ssyncset.s32 $0xFFFFF086  }
0x25: {  	[simem:s6], [sflag:s4] =	dma.local [hbm:s3], $0xF7A  }
0x26: {  	[smem:$0x3F99] =	sst s1;
	(tag) =	ssettag s2;
	_ =	strace s9  }
0x27: {  	s1 =	sld [smem:$0x3FA9]  }
0x28: {  	s2 =	sld [smem:$0x3FAA]  }
0x29: {  	s4 =	sld [smem:$0x3FAC]  }
0x2a: {  	p0 =	seq.s32 s5, $0x0;
	s5 =	sld [smem:$0x3FAD]  }
0x2b: {  	s6 =	sld [smem:$0x3FAE]  }
0x2c: {  	s7 =	sld [smem:$0x3FAF]  }
0x2d: {  	s3 =	simm.s32 $0x108;
	s8 =	sld [smem:$0x3FB0]  }
0x2e: {  	s3 =	simm.s32 @!p0 $0x1082;
	s9 =	sld [smem:$0x3FB1]  }
0x2f: {  	lr =	sadd.s32 s0, s3;
	s0 =	sld [smem:$0x3FA8]  }
0x30: {  	s3 =	sld [smem:$0x3FAB]  }
0x31: {  	[smem:$0x3FB4] =	sst s10  }
0x32: {  	s10 =	sld [smem:$0x3FB2];
	_ =	sdelay $0x3  }
0x33: {  	p0 =	seq.s32 s10, $0x1;
	s10 =	sld [smem:$0x3FB4];
	_ =	sdelay $0x3  }
0x34: {  	[smem:$0x3FB4] =	sst s10  }
0x35: {  	s10 =	sld [smem:$0x3FB3];
	_ =	sdelay $0x3  }
0x36: {  	p1 =	seq.s32 s10, $0x1;
	s10 =	sld [smem:$0x3FB4];
	_ =	sdelay $0x3  }
0x37: {  	[smem:$0x3FB4] =	sst s10  }
0x38: {  	s10 =	sld [smem:$0x3FB5]  }
0x39: {  	_ = 	snop;
	(pc) =	sbr.ind lr, $3  }
0x3a: {  	_ = 	snop  }
0x3b: {  	_ = 	snop  }
0x3c: {  	p2 =	seq.s32 s10, $0x1;
	s10 =	sld [smem:$0x3FB4]  }
0x3d: {  	_ =	shalt  }
0x3e: {  	_ =	shalt  }
0x3f: {  	_ =	shalt  }
0x40: {  	_ =	shalt  }
0x41: {  	_ =	shalt  }
0x42: {  	_ =	shalt  }
0x43: {  	_ =	shalt  }
0x44: {  	_ =	shalt  }
0x45: {  	_ =	shalt  }
0x46: {  	_ =	shalt  }
0x47: {  	_ =	shalt  }
0x48: {  	_ =	shalt  }
0x49: {  	_ =	shalt  }
0x4a: {  	_ =	shalt  }
0x4b: {  	_ =	shalt  }
0x4c: {  	_ =	shalt  }
0x4d: {  	_ =	shalt  }
0x4e: {  	_ =	shalt  }
0x4f: {  	_ =	shalt  }
0x50: {  	_ =	shalt  }
0x51: {  	_ =	shalt  }
0x52: {  	_ =	shalt  }
0x53: {  	_ =	shalt  }
0x54: {  	_ =	shalt  }
0x55: {  	_ =	shalt  }
0x56: {  	_ =	shalt  }
0x57: {  	_ =	shalt  }
0x58: {  	_ =	shalt  }
0x59: {  	_ =	shalt  }
0x5a: {  	_ =	shalt  }
0x5b: {  	_ =	shalt  }
0x5c: {  	_ =	shalt  }
0x5d: {  	_ =	shalt  }
0x5e: {  	_ =	shalt  }
0x5f: {  	_ =	shalt  }
0x60: {  	_ =	shalt  }
0x61: {  	_ =	shalt  }
0x62: {  	_ =	shalt  }
0x63: {  	_ =	shalt  }
0x64: {  	_ =	shalt  }
0x65: {  	_ =	shalt  }
0x66: {  	_ =	shalt  }
0x67: {  	_ =	shalt  }
0x68: {  	_ =	shalt  }
0x69: {  	_ =	shalt  }
0x6a: {  	_ =	shalt  }
0x6b: {  	_ =	shalt  }
0x6c: {  	_ =	shalt  }
0x6d: {  	_ =	shalt  }
0x6e: {  	_ =	shalt  }
0x6f: {  	_ =	shalt  }
0x70: {  	_ =	shalt  }
0x71: {  	_ =	shalt  }
0x72: {  	_ =	shalt  }
0x73: {  	_ =	shalt  }
0x74: {  	_ =	shalt  }
0x75: {  	_ =	shalt  }
0x76: {  	_ =	shalt  }
0x77: {  	_ =	shalt  }
0x78: {  	_ =	shalt  }
0x79: {  	_ =	shalt  }
0x7a: {  	_ =	shalt  }
0x7b: {  	_ =	shalt  }
0x7c: {  	_ =	shalt  }
0x7d: {  	_ =	shalt  }
0x7e: {  	_ =	shalt  }
0x7f: {  	_ =	shalt  }
0x80: {  	_ =	shalt  }
0x81: {  	_ =	shalt  }
0x82: {  	_ =	shalt  }
0x83: {  	_ =	shalt  }
0x84: {  	_ =	shalt  }
0x85: {  	_ =	shalt  }
0x86: {  	_ =	shalt  }
0x87: {  	_ =	shalt  }
.Lfunc_end0:
.L_simem_size_0:
called_computation_lowered:
.L_overlay_start_0:
0x88: {  	s2 =	sld [smem:$0x3FD9]  }
0x89: {  	s3 =	sld [smem:$0x3FFE];
	_ =	sdelay $0x1  }
0x8a: {  	s1 =	srdreg.scid  }
0x8b: {  	s0 =	sand.u32 $0x1, s1  }
0x8c: {  	s14 =	sshll.u32 s0, $0xA;
	s2 =	sadd.s32 s3, s2  }
0x8d: {  	s2 =	sadd.s32 s2, s14  }
0x8e: {  	[smem:$0x3FC0] =	sst s2  }
0x8f: {  	_ = 	snop  }
0x90: {  	s2 =	sld [smem:$0x3FC9]  }
0x91: {  	s15 =	sld [smem:$0x3FC8]  }
0x92: {  	s4 =	sld [smem:$0x3FD0]  }
0x93: {  	s5 =	sld [smem:$0x3FC6]  }
0x94: {  	s6 =	sld [smem:$0x3FC5]  }
0x95: {  	s8 =	simm.s32 $0xA;
	s9 =	simm.s32 $0x10;
	s7 =	sld [smem:$0x3FC4]  }
0x96: {  	[smem:s9], [sflag:s8] =	dma.local [hbm:s4], $0x1  }
0x97: {  	_ =	swait.eq [sflag:s8], $0x1  }
0x98: {  	[sflag:s8] =	ssyncset.done $0x0  }
0x99: {  	s16 =	sld [smem:$0x10];
	[sflag:s8] =	ssyncadd.s32 $0xFFFFFFFF  }
0x9a: {  	s17 =	sld [smem:$0x11];
	(tm) =	ssettm $0x1  }
0x9b: {  	s18 =	sld [smem:$0x3FFB];
	_ =	sdelay $0x3  }
0x9c: {  	_ =	strace s18  }
0x9d: {  	s9 =	sld [smem:$0x3FFC];
	_ =	sdelay $0x3  }
0x9e: {  	_ =	strace s9  }
0x9f: {  	s9 =	sld [smem:$0x3FFD];
	_ =	sdelay $0x3  }
0xa0: {  	_ =	strace s9  }
0xa1: {  	_ =	strace $0x8FFFFFFF  }
0xa2: {  	s19 =	sld [smem:$0x3FDB];
	_ =	sdelay $0x1  }
0xa3: {  	s10 =	simm.s32 $_scs_section_size  }
0xa4: {  	s11 =	simm.s32 $_size__tile_overlayer_lowered;
	s12 =	simm.s32 $_tile_overlayer_lowered  }
0xa5: {  	s22 =	simm.s32 $0x1BFF;
	s21 =	sshll.u32 s12, $0x1;
	s9 =	sadd.s32 s10, s19  }
0xa6: {  	s13 =	simm.s32 $0x0;
	s20 =	sshll.u32 s11, $0x1;
	s11 =	sadd.s32 s21, s9  }
0xa7: {  	[timem:s13], [sflag:s22] =	dma.local [hbm:s11], s20  }
0xa8: {  	_ =	swait.ge [sflag:s22], s20  }
0xa9: {  	s10 =	ssub.s32 $0x0, s20;
	[sflag:s22] =	ssyncset.done $0x0  }
0xaa: {  	[sflag:s22] =	ssyncadd.s32 s10;
	_ =	sdelay $0x1  }
0xab: {  	s23 =	simm.s32 $0x1B8B  }
0xac: {  	_ =	swait.ge [sflag:s23], $0x1  }
0xad: {  	[sflag:s23] =	ssyncset.done $0x0  }
0xae: {  	s25 =	simm.s32 $0x1B8E;
	s24 =	sld [smem:$0x3FFE];
	[sflag:s23] =	ssyncadd.s32 $0xFFFFFFFF  }
0xaf: {  	s26 =	simm.s32 $execute0_lowered;
	[smem:$0x3FD2] =	sst s25  }
0xb0: {  	s11 =	sshll.u32 s26, $0x1;
	_ =	strace $0x80000046;
	[dreg:$0x1] =	wrdreg $0xFFFFFFFF  }
0xb1: {  	s28 =	simm.s32 $_size_execute0_lowered;
	s9 =	sadd.s32 s9, s11;
	[dreg:$0x0] =	wrdreg $0x0  }
0xb2: {  	s11 =	sshll.u32 s28, $0x1;
	[dreg:$0x2] =	wrdreg s9  }
0xb3: {  	[dreg:$0x3] =	wrdreg s11  }
0xb4: {  	[dreg:$0x4] =	wrdreg $0xC0  }
0xb5: {  	_ =	task [dreg:s13], $0x5FFFF  }
0xb6: {  	[dreg:$0x1] =	wrdreg $0xFFFFFFFF  }
0xb7: {  	[dreg:$0x0] =	wrdreg $0x60  }
0xb8: {  	[dreg:$0x2] =	wrdreg s24  }
0xb9: {  	[dreg:$0x3] =	wrdreg s2  }
0xba: {  	[dreg:$0x4] =	wrdreg s15  }
0xbb: {  	[dreg:$0x5] =	wrdreg s5  }
0xbc: {  	[dreg:$0x6] =	wrdreg s6  }
0xbd: {  	[dreg:$0x7] =	wrdreg s7  }
0xbe: {  	[dreg:$0x8] =	wrdreg s16  }
0xbf: {  	[dreg:$0x9] =	wrdreg s17  }
0xc0: {  	[dreg:$0xa] =	wrdreg $0x1B9000  }
0xc1: {  	[dreg:$0xb] =	wrdreg $0x9  }
0xc2: {  	_ =	task.clear_ibuf [dreg:s13], $0xCFFFF;
	_ =	strace $0x90000046  }
0xc3: {  	s29 =	simm.s32 $0x9;
	_ =	strace $0x80000048  }
0xc4: {  	_ =	swait.ge [sflag:s29], $0x1  }
0xc5: {  	[sflag:s29] =	ssyncadd.s32 $0xFFFFFFFF  }
0xc6: {  	_ =	strace $0x90000048  }
0xc7: {  	_ =	sfence  }
0xc8: {  	s30 =	sld [smem:$0x0];
	_ =	sdelay $0x2  }
0xc9: {  	s31 =	sshll.u32 s1, $0xD;
	s1 =	sshrl.u32 s1, $0x2  }
0xca: {  	s3 =	sand.u32 $0x4000, s31;
	s1 =	sadd.s32 s1, s30  }
0xcb: {  	s0 =	sor.u32 s3, s0;
	s1 =	sshll.u32 s1, $0x11  }
0xcc: {  	s0 =	sor.u32 s1, s0  }
0xcd: {  	s0 =	sadd.s32 $0x8F2B, s0  }
0xce: {  	[sflag:s0] =	ssyncadd.remote.s32 $0x1  }
0xcf: {  	_ =	sfence.sel $0xFFFF  }
0xd0: {  	[dreg:$0x0] =	wrdreg $0xFFFFFFFF;
	(pc) =	sbr.abs _section_cstart, $3  }
0xd1: {  	[dreg:$0x1] =	wrdreg $0xFFFFFFFF  }
0xd2: {  	_ =	task.clear_ibuf [dreg:s13], $0x2FFFF;
	_ =	strace $0x9FFFFFFF  }
0xd3: {  	(tm) =	ssettm $0x7FFFFFFF  }
tec
execute0_lowered:
.L_overlay_start_1:
0x0: {  	(tag) =	ssettag $0x1  }
0x1: {  	s0 =	rddreg [dreg:$0x0]  }
0x2: {  	s1 =	rddreg [dreg:$0x1]  }
0x3: {  	s3 =	rddreg [dreg:$0x2]  }
0x4: {  	s2 =	rddreg [dreg:$0x5]  }
0x5: {  	s4 =	rddreg [dreg:$0x6]  }
0x6: {  	s5 =	srdreg.scid;
	s7 =	rddreg [dreg:$0x7]  }
0x7: {  	s12 =	stileid.u32;
	s6 =	simm.s32 $0x0;
	s17 =	simm.s32 $0x7  }
0x8: {  	s18 =	simm.s32 $0x80;
	s19 =	simm.s32 $0x3900;
	s20 =	simm.s32 $0x7900  }
0x9: {  	s22 =	simm.s32 $0xB900;
	s24 =	simm.s32 $0xF900;
	s28 =	simm.s32 $0x3880  }
0xa: {  	s29 =	simm.s32 $0x13900;
	s30 =	simm.s32 $0x17900;
	s31 =	simm.s32 $0x1  }
0xb: {  	s21 =	simm.s32 $0x6;
	s8 =	sand.u32 $0x1, s5;
	s5 =	rddreg [dreg:$0x8]  }
0xc: {  	s23 =	simm.s32 $0x0;
	[smem:$0x7FF] =	sst s6;
	s13 =	sadd.s32 $0xF400, s0  }
0xd: {  	s26 =	sshll.u32 s12, $0xE;
	s9 =	sshll.u32 s8, $0x4;
	_ =	strace $0x80000047  }
0xe: {  	s8 =	ssub.s32 $0x2, s8;
	[dreg:$0xa] =	wrdreg s13;
	s9 =	sor.u32 s12, s9  }
0xf: {  	s11 =	sshrl.u32 s8, $0x1;
	s10 =	smul.u32 $0x380, s9;
	s15 =	sshll.u32 s9, $0xB  }
0x10: {  	s8 =	ssub.s32 s8, s11;
	s9 =	sshll.u32 s9, $0x4;
	s11 =	sadd.s32 s26, s5  }
0x11: {  	s26 =	simm.s32 $0x3800;
	[dreg:$0xc] =	wrdreg s11;
	s11 =	sadd.s32 s1, s9  }
0x12: {  	s12 =	sadd.s32 s3, s9;
	s14 =	sadd.s32 s4, s15;
	s16 =	smax.u32 s8, $0x1  }
0x13: {  	s3 =	simm.s32 $0x2;
	s1 =	simm.s32 $0x4;
	s10 =	sadd.s32 s10, s0  }
0x14: {  	s4 =	simm.s32 $0x5;
	s0 =	sadd.s32 s15, s0;
	s25 =	sadd.s32 $0x1400, s10  }
0x15: {  	s15 =	sadd.s32 s7, s15;
	s10 =	sadd.s32 $0x8400, s10;
	[dreg:$0xb] =	wrdreg s25  }
0x16: {  	s13 =	sadd.s32 $0xFC00, s0;
	s0 =	simm.s32 $0x3;
	[dreg:$0xd] =	wrdreg s10  }
.LBB2_1:
0x17: {  	s7 =	rddreg [dreg:$0xb]  }
0x18: {  	[tilespmem:s6], [sflag:$0x7] =	stream.linear.gather [hbm4b:s7+s6], $0x1900, $0x38;
	[tilespmem:$0x1F900] =	vst v63  }
0x19: {  	_ =	swait.ge [sflag:s17], $0x1900  }
0x1a: {  	[sflag:s17] =	ssyncset.done $0x0  }
0x1b: {  	[sflag:s17] =	ssyncadd.s32 $0xFFFFE700  }
0x1c: {  	[tilespmem:s19], [sflag:$0x1] =	stream.indirect.gather [hbm4b:s2+s18], $0x80, s6, s18, $0xb8;
	[tilespmem:$0x1F900] =	vst v63  }
0x1d: {  	_ = 	snop  }
0x1e: {  	[tilespmem:s20], [sflag:$0x2] =	stream.indirect.gather [hbm4b:s2+s18], $0x80, s18, s18, $0xb8;
	[tilespmem:$0x1F900] =	vst v63  }
0x1f: {  	s25 =	simm.s32 $0x100;
	s9 =	stileid.u32  }
0x20: {  	[tilespmem:s22], [sflag:$0x3] =	stream.indirect.gather [hbm4b:s2+s18], $0x80, s25, s18, $0xb8;
	[tilespmem:$0x1F900] =	vst v63  }
0x21: {  	s8 =	simm.s32 $0x180;
	s10 =	rddreg [dreg:$0xc];
	s25 =	sshll.u32 s9, $0x6  }
0x22: {  	[tilespmem:s24], [sflag:$0x4] =	stream.indirect.gather [hbm4b:s2+s18], $0x80, s8, s18, $0xb8;
	[tilespmem:$0x1F900] =	vst v63  }
0x23: {  	s7 =	sshrl.u32 s10, $0x3;
	s9 =	rddreg [dreg:$0xa];
	s8 =	sor.u32 $0x1C07, s25  }
0x24: {  	[spmem:s7], [sflag:s8] =	dma.local [hbm:s9], $0x800  }
0x25: {  	_ =	swait.ge [sflag:s17], $0x800  }
0x26: {  	[sflag:s17] =	ssyncset.done $0x0  }
0x27: {  	s10 =	simm.s32 $0x1C00;
	s9 =	rddreg [dreg:$0xd];
	[sflag:s17] =	ssyncadd.s32 $0xFFFFF800  }
0x28: {  	[tilespmem:s10], [sflag:$0x7] =	stream.linear.gather [hbm4b:s9+s6], $0x1900, $0x38;
	[tilespmem:$0x1F900] =	vst v63  }
0x29: {  	_ =	swait.ge [sflag:s17], $0x1900  }
0x2a: {  	[sflag:s17] =	ssyncset.done $0x0  }
0x2b: {  	[sflag:s17] =	ssyncadd.s32 $0xFFFFE700  }
0x2c: {  	[tilespmem:s26], [sflag:$0x7] =	stream.linear.gather [hbm4b:s11+s6], $0x80, $0x38;
	[tilespmem:$0x1F900] =	vst v63  }
0x2d: {  	_ =	swait.ge [sflag:s17], $0x80  }
0x2e: {  	[sflag:s17] =	ssyncset.done $0x0  }
0x2f: {  	[sflag:s17] =	ssyncadd.s32 $0xFFFFFF80  }
0x30: {  	[tilespmem:s28], [sflag:$0x7] =	stream.linear.gather [hbm4b:s12+s6], $0x80, $0x38;
	[tilespmem:$0x1F900] =	vst v63  }
0x31: {  	_ =	swait.ge [sflag:s17], $0x80  }
0x32: {  	[sflag:s17] =	ssyncset.done $0x0  }
0x33: {  	[sflag:s17] =	ssyncadd.s32 $0xFFFFFF80  }
0x34: {  	s10 =	rddreg [dreg:$0x3]  }
0x35: {  	[tilespmem:s29], [sflag:$0x5] =	stream.indirect.gather [hbm4b:s10+s18], $0x80, s26, s18, $0xb8;
	[tilespmem:$0x1F900] =	vst v63  }
0x36: {  	s9 =	rddreg [dreg:$0x4]  }
0x37: {  	[tilespmem:s30], [sflag:$0x6] =	stream.indirect.gather [hbm4b:s9+s18], $0x80, s28, s18, $0xb8;
	[tilespmem:$0x1F900] =	vst v63  }
0x38: {  	_ =	swait.ge [sflag:s31], $0x4000  }
0x39: {  	[sflag:s31] =	ssyncset.done $0x0  }
0x3a: {  	s10 =	simm.s32 $0x1C00;
	[sflag:s31] =	ssyncadd.s32 $0xFFFFC000  }
0x3b: {  	[spmem:s5] =	stream.indirect.scatter.add.f32 [tilespmem:s19], [sflag:$0x7], $0x80, s10, s18, $0xb8;
	[tilespmem:$0x1F900] =	vst v63  }
0x3c: {  	_ =	swait.ge [sflag:s17], $0x4000  }
0x3d: {  	[sflag:s17] =	ssyncset.done $0x0  }
0x3e: {  	s9 =	simm.s32 $0x200;
	[sflag:s17] =	ssyncadd.s32 $0xFFFFC000  }
0x3f: {  	[tilespmem:s19], [sflag:$0x1] =	stream.indirect.gather [hbm4b:s2+s18], $0x80, s9, s18, $0xb8;
	[tilespmem:$0x1F900] =	vst v63  }
0x40: {  	_ =	swait.ge [sflag:s3], $0x4000  }
0x41: {  	[sflag:s3] =	ssyncset.done $0x0  }
0x42: {  	s10 =	simm.s32 $0x1C80;
	[sflag:s3] =	ssyncadd.s32 $0xFFFFC000  }
0x43: {  	[spmem:s5] =	stream.indirect.scatter.add.f32 [tilespmem:s20], [sflag:$0x7], $0x80, s10, s18, $0xb8;
	[tilespmem:$0x1F900] =	vst v63  }
0x44: {  	_ =	swait.ge [sflag:s17], $0x4000  }
0x45: {  	[sflag:s17] =	ssyncset.done $0x0  }
0x46: {  	s9 =	simm.s32 $0x280;
	[sflag:s17] =	ssyncadd.s32 $0xFFFFC000  }
0x47: {  	[tilespmem:s20], [sflag:$0x2] =	stream.indirect.gather [hbm4b:s2+s18], $0x80, s9, s18, $0xb8;
	[tilespmem:$0x1F900] =	vst v63  }
0x48: {  	_ =	swait.ge [sflag:s0], $0x4000  }
0x49: {  	[sflag:s0] =	ssyncset.done $0x0  }
0x4a: {  	s10 =	simm.s32 $0x1D00;
	[sflag:s0] =	ssyncadd.s32 $0xFFFFC000  }
0x4b: {  	[spmem:s5] =	stream.indirect.scatter.add.f32 [tilespmem:s22], [sflag:$0x7], $0x80, s10, s18, $0xb8;
	[tilespmem:$0x1F900] =	vst v63  }
0x4c: {  	_ =	swait.ge [sflag:s17], $0x4000  }
0x4d: {  	[sflag:s17] =	ssyncset.done $0x0  }
0x4e: {  	s9 =	simm.s32 $0x300;
	[sflag:s17] =	ssyncadd.s32 $0xFFFFC000  }
0x4f: {  	[tilespmem:s22], [sflag:$0x3] =	stream.indirect.gather [hbm4b:s2+s18], $0x80, s9, s18, $0xb8;
	[tilespmem:$0x1F900] =	vst v63  }
0x50: {  	_ =	swait.ge [sflag:s1], $0x4000  }
0x51: {  	[sflag:s1] =	ssyncset.done $0x0  }
0x52: {  	s10 =	simm.s32 $0x1D80;
	[sflag:s1] =	ssyncadd.s32 $0xFFFFC000  }
0x53: {  	[spmem:s5] =	stream.indirect.scatter.add.f32 [tilespmem:s24], [sflag:$0x7], $0x80, s10, s18, $0xb8;
	[tilespmem:$0x1F900] =	vst v63  }
0x54: {  	_ =	swait.ge [sflag:s17], $0x4000  }
0x55: {  	[sflag:s17] =	ssyncset.done $0x0  }
0x56: {  	s8 =	simm.s32 $0x800;
	s9 =	simm.s32 $0x380;
	[sflag:s17] =	ssyncadd.s32 $0xFFFFC000  }
.LBB2_2:
0x57: {  	[tilespmem:s24], [sflag:$0x4] =	stream.indirect.gather [hbm4b:s2+s18], $0x80, s9, s18, $0xb8;
	[tilespmem:$0x1F900] =	vst v63  }
0x58: {  	s9 =	smov.u32 s8  }
0x59: {  	p0 =	sne.s32 s8, $0x5000;
	s8 =	sadd.s32 $0x800, s8;
	_ =	swait.ge [sflag:s31], $0x4000  }
0x5a: {  	s9 =	sshra.s32 s9, $0x2;
	[sflag:s31] =	ssyncset.done $0x0  }
0x5b: {  	s10 =	sadd.s32 $0x1C00, s9;
	[sflag:s31] =	ssyncadd.s32 $0xFFFFC000  }
0x5c: {  	[spmem:s5] =	stream.indirect.scatter.add.f32 [tilespmem:s19], [sflag:$0x7], $0x80, s10, s18, $0xb8;
	[tilespmem:$0x1F900] =	vst v63  }
0x5d: {  	_ =	swait.ge [sflag:s17], $0x4000  }
0x5e: {  	[sflag:s17] =	ssyncset.done $0x0  }
0x5f: {  	s10 =	sadd.s32 $0x200, s9;
	[sflag:s17] =	ssyncadd.s32 $0xFFFFC000  }
0x60: {  	[tilespmem:s19], [sflag:$0x1] =	stream.indirect.gather [hbm4b:s2+s18], $0x80, s10, s18, $0xb8;
	[tilespmem:$0x1F900] =	vst v63  }
0x61: {  	_ =	swait.ge [sflag:s3], $0x4000  }
0x62: {  	[sflag:s3] =	ssyncset.done $0x0  }
0x63: {  	s10 =	sadd.s32 $0x1C80, s9;
	[sflag:s3] =	ssyncadd.s32 $0xFFFFC000  }
0x64: {  	[spmem:s5] =	stream.indirect.scatter.add.f32 [tilespmem:s20], [sflag:$0x7], $0x80, s10, s18, $0xb8;
	[tilespmem:$0x1F900] =	vst v63  }
0x65: {  	_ =	swait.ge [sflag:s17], $0x4000  }
0x66: {  	[sflag:s17] =	ssyncset.done $0x0  }
0x67: {  	s10 =	sadd.s32 $0x280, s9;
	[sflag:s17] =	ssyncadd.s32 $0xFFFFC000  }
0x68: {  	[tilespmem:s20], [sflag:$0x2] =	stream.indirect.gather [hbm4b:s2+s18], $0x80, s10, s18, $0xb8;
	[tilespmem:$0x1F900] =	vst v63  }
0x69: {  	_ =	swait.ge [sflag:s0], $0x4000  }
0x6a: {  	[sflag:s0] =	ssyncset.done $0x0  }
0x6b: {  	s10 =	sadd.s32 $0x1D00, s9;
	[sflag:s0] =	ssyncadd.s32 $0xFFFFC000  }
0x6c: {  	[spmem:s5] =	stream.indirect.scatter.add.f32 [tilespmem:s22], [sflag:$0x7], $0x80, s10, s18, $0xb8;
	[tilespmem:$0x1F900] =	vst v63  }
0x6d: {  	_ =	swait.ge [sflag:s17], $0x4000  }
0x6e: {  	[sflag:s17] =	ssyncset.done $0x0  }
0x6f: {  	s10 =	sadd.s32 $0x300, s9;
	[sflag:s17] =	ssyncadd.s32 $0xFFFFC000  }
0x70: {  	[tilespmem:s22], [sflag:$0x3] =	stream.indirect.gather [hbm4b:s2+s18], $0x80, s10, s18, $0xb8;
	[tilespmem:$0x1F900] =	vst v63  }
0x71: {  	_ =	swait.ge [sflag:s1], $0x4000  }
0x72: {  	[sflag:s1] =	ssyncset.done $0x0  }
.Ltmp0:
0x73: {  	s10 =	sadd.s32 $0x1D80, s9;
	[sflag:s1] =	ssyncadd.s32 $0xFFFFC000;
	(pc) =	sbr.rel @p0 .LBB2_2-.Ltmp0, $4  }
0x74: {  	[spmem:s5] =	stream.indirect.scatter.add.f32 [tilespmem:s24], [sflag:$0x7], $0x80, s10, s18, $0xb8;
	[tilespmem:$0x1F900] =	vst v63  }
0x75: {  	_ =	swait.ge [sflag:s17], $0x4000  }
0x76: {  	[sflag:s17] =	ssyncset.done $0x0  }
0x77: {  	s9 =	sadd.s32 $0x380, s9;
	[sflag:s17] =	ssyncadd.s32 $0xFFFFC000  }
0x78: {  	[tilespmem:s24], [sflag:$0x4] =	stream.indirect.gather [hbm4b:s2+s18], $0x80, s9, s18, $0xb8;
	[tilespmem:$0x1F900] =	vst v63  }
0x79: {  	_ =	swait.ge [sflag:s31], $0x4000  }
0x7a: {  	[sflag:s31] =	ssyncset.done $0x0  }
0x7b: {  	s8 =	simm.s32 $0x3200;
	[sflag:s31] =	ssyncadd.s32 $0xFFFFC000  }
0x7c: {  	[spmem:s5] =	stream.indirect.scatter.add.f32 [tilespmem:s19], [sflag:$0x7], $0x80, s8, s18, $0xb8;
	[tilespmem:$0x1F900] =	vst v63  }
0x7d: {  	_ =	swait.ge [sflag:s17], $0x4000  }
0x7e: {  	[sflag:s17] =	ssyncset.done $0x0  }
0x7f: {  	s10 =	simm.s32 $0x1800;
	[sflag:s17] =	ssyncadd.s32 $0xFFFFC000  }
0x80: {  	[tilespmem:s19], [sflag:$0x1] =	stream.indirect.gather [hbm4b:s2+s18], $0x80, s10, s18, $0xb8;
	[tilespmem:$0x1F900] =	vst v63  }
0x81: {  	_ =	swait.ge [sflag:s3], $0x4000  }
0x82: {  	[sflag:s3] =	ssyncset.done $0x0  }
0x83: {  	s9 =	simm.s32 $0x3280;
	[sflag:s3] =	ssyncadd.s32 $0xFFFFC000  }
0x84: {  	[spmem:s5] =	stream.indirect.scatter.add.f32 [tilespmem:s20], [sflag:$0x7], $0x80, s9, s18, $0xb8;
	[tilespmem:$0x1F900] =	vst v63  }
0x85: {  	_ =	swait.ge [sflag:s17], $0x4000  }
0x86: {  	[sflag:s17] =	ssyncset.done $0x0  }
0x87: {  	s10 =	simm.s32 $0x1880;
	[sflag:s17] =	ssyncadd.s32 $0xFFFFC000  }
0x88: {  	[tilespmem:s20], [sflag:$0x2] =	stream.indirect.gather [hbm4b:s2+s18], $0x80, s10, s18, $0xb8;
	[tilespmem:$0x1F900] =	vst v63  }
0x89: {  	_ =	swait.ge [sflag:s0], $0x4000  }
0x8a: {  	[sflag:s0] =	ssyncset.done $0x0  }
0x8b: {  	s9 =	simm.s32 $0x3300;
	[sflag:s0] =	ssyncadd.s32 $0xFFFFC000  }
0x8c: {  	[spmem:s5] =	stream.indirect.scatter.add.f32 [tilespmem:s22], [sflag:$0x7], $0x80, s9, s18, $0xb8;
	[tilespmem:$0x1F900] =	vst v63  }
0x8d: {  	_ =	swait.ge [sflag:s17], $0x4000  }
0x8e: {  	[sflag:s17] =	ssyncset.done $0x0  }
0x8f: {  	[sflag:s17] =	ssyncadd.s32 $0xFFFFC000  }
0x90: {  	_ =	swait.ge [sflag:s1], $0x4000  }
0x91: {  	[sflag:s1] =	ssyncset.done $0x0  }
0x92: {  	s10 =	simm.s32 $0x3380;
	[sflag:s1] =	ssyncadd.s32 $0xFFFFC000  }
0x93: {  	[spmem:s5] =	stream.indirect.scatter.add.f32 [tilespmem:s24], [sflag:$0x7], $0x80, s10, s18, $0xb8;
	[tilespmem:$0x1F900] =	vst v63  }
0x94: {  	_ =	swait.ge [sflag:s17], $0x4000  }
0x95: {  	[sflag:s17] =	ssyncset.done $0x0  }
0x96: {  	[sflag:s17] =	ssyncadd.s32 $0xFFFFC000  }
0x97: {  	_ =	swait.ge [sflag:s31], $0x4000  }
0x98: {  	[sflag:s31] =	ssyncset.done $0x0  }
0x99: {  	s9 =	simm.s32 $0x3400;
	[sflag:s31] =	ssyncadd.s32 $0xFFFFC000  }
0x9a: {  	[spmem:s5] =	stream.indirect.scatter.add.f32 [tilespmem:s19], [sflag:$0x7], $0x80, s9, s18, $0xb8;
	[tilespmem:$0x1F900] =	vst v63  }
0x9b: {  	_ =	swait.ge [sflag:s17], $0x4000  }
0x9c: {  	[sflag:s17] =	ssyncset.done $0x0  }
0x9d: {  	[sflag:s17] =	ssyncadd.s32 $0xFFFFC000  }
0x9e: {  	_ =	swait.ge [sflag:s3], $0x4000  }
0x9f: {  	[sflag:s3] =	ssyncset.done $0x0  }
0xa0: {  	s10 =	simm.s32 $0x3480;
	[sflag:s3] =	ssyncadd.s32 $0xFFFFC000  }
0xa1: {  	[spmem:s5] =	stream.indirect.scatter.add.f32 [tilespmem:s20], [sflag:$0x7], $0x80, s10, s18, $0xb8;
	[tilespmem:$0x1F900] =	vst v63  }
0xa2: {  	_ =	swait.ge [sflag:s17], $0x4000  }
0xa3: {  	[sflag:s17] =	ssyncset.done $0x0  }
0xa4: {  	s25 =	sor.u32 $0x1C01, s25;
	[sflag:s17] =	ssyncadd.s32 $0xFFFFC000  }
0xa5: {  	[hbm:s13], [sflag:s25] =	dma.local [spmem:s7], $0x800  }
0xa6: {  	_ =	swait.ge [sflag:s4], $0x4000  }
0xa7: {  	[sflag:s4] =	ssyncset.done $0x0  }
0xa8: {  	[sflag:s4] =	ssyncadd.s32 $0xFFFFC000  }
0xa9: {  	[hbm4b:s14+s6] =	stream.linear.scatter [tilespmem:s29], [sflag:$0x5], $0x4000, $0x38;
	[tilespmem:$0x1F900] =	vst v63  }
0xaa: {  	_ =	swait.ge [sflag:s21], $0x4000  }
0xab: {  	[sflag:s21] =	ssyncset.done $0x0  }
0xac: {  	[sflag:s21] =	ssyncadd.s32 $0xFFFFC000  }
0xad: {  	[hbm4b:s15+s6] =	stream.linear.scatter [tilespmem:s30], [sflag:$0x6], $0x4000, $0x38;
	[tilespmem:$0x1F900] =	vst v63  }
0xae: {  	_ =	swait.ge [sflag:s4], $0x4000  }
0xaf: {  	[sflag:s4] =	ssyncset.done $0x0  }
0xb0: {  	s23 =	sadd.s32 $0x1, s23;
	[sflag:s4] =	ssyncadd.s32 $0xFFFFC000  }
0xb1: {  	p0 =	sne.s32 s23, s16;
	_ =	swait.ge [sflag:s21], $0x4000  }
.Ltmp1:
0xb2: {  	[sflag:s21] =	ssyncset.done $0x0;
	(pc) =	sbr.rel @p0 .LBB2_1-.Ltmp1, $4  }
0xb3: {  	[sflag:s21] =	ssyncadd.s32 $0xFFFFC000  }
0xb4: {  	_ =	swait.ge [sflag:s31], $0x800  }
0xb5: {  	[sflag:s31] =	ssyncset.done $0x0  }
0xb6: {  	[sflag:s31] =	ssyncadd.s32 $0xFFFFF800  }
0xb7: {  	_ =	sfence.sel $0x180000  }
0xb8: {  	[bflag:$0x0] =	sbarrier.arrive $0xFFFF  }
0xb9: {  	_ =	strace $0x90000047  }
0xba: {  	s0 =	stileid.u32;
	[bflag:$0x2] =	sbarrier.arrive $0xFFFF  }
0xbb: {  	p0 =	sne.s32 s0, $0x0;
	s0 =	rddreg [dreg:$0x9]  }
0xbc: {  	s0 =	sadd.s32 @!p0 $0x100000, s0  }
0xbd: {  	[sflag:s0] =	ssyncadd.tile.s32 @!p0 $0x1;
	_ =	shalt  }
.Lfunc_end2:
_tile_overlayer_lowered:
.L_overlay_start_2:
0xbe: {  	(tag) =	ssettag $0x2  }
0xbf: {  	s0 =	rddreg [dreg:$0x0];
	s2 =	stileid.u32  }
0xc0: {  	s1 =	rddreg [dreg:$0x1];
	p0 =	sne.s32 s2, $0x0  }
0xc1: {  	s3 =	rddreg [dreg:$0x2];
	[bflag:$0x3] =	sbarrier.arrive $0xFFFF;
	s2 =	simm.s32 @!p0 $0x1C07  }
0xc2: {  	[timem:s3], [sflag:s2] =	dma.local @!p0 [hbm:s0], s1  }
0xc3: {  	s0 =	simm.s32 @!p0 $0x7  }
0xc4: {  	_ =	swait.ge @!p0 [sflag:s0], s1  }
0xc5: {  	s1 =	ssub.s32 @!p0 $0x0, s1;
	[sflag:s0] =	ssyncset.done @!p0 $0x0  }
0xc6: {  	[sflag:s0] =	ssyncadd.s32 @!p0 s1  }
0xc7: {  	[bflag:$0x3] =	sbarrier.arrive $0xFFFF  }
0xc8: {  	_ =	shalt  }

</sc_bundles>
